<compile_context>
chip_gen: v7x
topology: tpu7x:2x2x1
jax: 0.10.2.dev20260603
libtpu: 0.0.44.dev20260713+nightly
codegen_flags: <defaults>
</compile_context>

<pallas_src>
import functools

import jax
import jax.numpy as jnp
from jax import lax
from jax.experimental import pallas as pl
from jax.experimental.pallas import tpu as pltpu
from jax.experimental.pallas import tpu_sc as plsc

V = 1000000
E = 64
B = 4096
H = 200
NC, NS = 2, 16
NW = NC * NS
NCHUNK = (B // 128) * H
CPW = NCHUNK // NW

_mesh = plsc.VectorSubcoreMesh(core_axis_name="c", subcore_axis_name="s")


@functools.partial(
    pl.kernel,
    mesh=_mesh,
    out_type=jax.ShapeDtypeStruct((H, E, B), jnp.float32),
    scratch_types=[
        pltpu.VMEM((CPW, 128), jnp.int32),
        pltpu.VMEM((2, 128, 128), jnp.float32),
        pltpu.VMEM((2, 64, 129), jnp.float32),
        pltpu.SemaphoreType.DMA,
        pltpu.SemaphoreType.DMA,
        pltpu.SemaphoreType.DMA,
        pltpu.SemaphoreType.DMA,
    ],
    compiler_params=pltpu.CompilerParams(needs_layout_passes=False),
)
def _ga(t128_hbm, idx_hbm, out_hbm, idx_v, bufs, wts, g0s, g1s, w0s, w1s):
    wid = lax.axis_index("s") * NC + lax.axis_index("c")
    k0 = pl.multiple_of(wid * CPW, 8)
    pltpu.sync_copy(idx_hbm.at[pl.ds(k0, CPW)], idx_v)
    iota = lax.iota(jnp.int32, 16)
    gsem = (g0s, g1s)
    wsem = (w0s, w1s)

    def fire_gather(j, s):
        pltpu.async_copy(t128_hbm.at[idx_v.at[j]], bufs.at[s], gsem[s])

    def wait_gather(s):
        pltpu.make_async_copy(
            t128_hbm.at[pl.ds(0, 128)], bufs.at[s], gsem[s]
        ).wait()

    def fire_write(j, s):
        k = k0 + j
        h = k // (B // 128)
        tj = k % (B // 128)
        pltpu.async_copy(
            wts.at[s, :, pl.ds(0, 128)],
            out_hbm.at[h, :, pl.ds(pl.multiple_of(tj * 128, 128), 128)],
            wsem[s],
        )

    def wait_write(s):
        pltpu.make_async_copy(
            wts.at[s, :, pl.ds(0, 128)], out_hbm.at[0, :, pl.ds(0, 128)], wsem[s]
        ).wait()

    def transpose(s):
        @plsc.parallel_loop(0, E, unroll=4)
        def col(c):
            cvec = jnp.full((16,), c, jnp.int32)
            for b0 in range(8):
                vals = plsc.load_gather(bufs.at[s], [iota + (b0 * 16), cvec])
                wts[s, c, pl.ds(b0 * 16, 16)] = vals

    fire_gather(0, 0)
    fire_gather(1, 1)

    def step(j2, carry):
        for s in range(2):
            j = 2 * j2 + s
            wait_gather(s)

            @pl.when(j2 > 0)
            def _():
                wait_write(s)

            transpose(s)
            fire_write(j, s)

            @pl.when(j + 2 < CPW)
            def _():
                fire_gather(j + 2, s)

        return carry

    lax.fori_loop(0, CPW // 2, step, 0)
    wait_write(0)
    wait_write(1)


def kernel(indices, table):
    t128 = jnp.concatenate([table, jnp.zeros((V, E), jnp.float32)], axis=1)
    idx2 = indices.T.reshape(NCHUNK, 128).astype(jnp.int32)
    out3d = _ga(t128, idx2)
    return out3d.transpose(2, 0, 1)

# --- scband reference (transcript-rebuilt; emitter-appended) ---
"""Pipeline reference for scband-token-embedding-41051297415843 (READ-ONLY COPY).

The authoritative reference and input builder live on the scoring server;
editing this copy changes nothing except your own understanding.
"""

import jax, jax.numpy as jnp
import numpy as np

VOCAB = 1000000
EMBED = 64
BATCH = 4096
HIST = 200

def setup_inputs(seed: int = 0) -> dict:
    key = jax.random.key(seed)
    k1, k2 = jax.random.split(key)
    indices = jax.random.randint(k1, (BATCH, HIST), 0, VOCAB)
    table = jax.random.normal(k2, (VOCAB, EMBED), dtype=jnp.float32)
    # padding_idx=0: nn.Embedding keeps this row as-is (typically zeroed at init)
    table = table.at[0].set(0.0)
    return {"indices": indices, "table": table}

def reference(indices, table):
    # nn.Embedding forward: plain row gather
    return jnp.take(table, indices, axis=0)

if __name__ == "__main__":
    import jax
    _d = setup_inputs()
    print(jax.jit(kernel)(*tuple(_d.values())))

</pallas_src>

<mosaic_0001>
#map = affine_map<(d0, d1) -> (0, 0)>
#map1 = affine_map<(d0, d1) -> (0, 0, 0)>
module attributes {stable_mosaic.version = 14 : i64} {
  func.func @_ga(%arg0: i32, %arg1: i32, %arg2: memref<1000000x128xf32, #tpu.memory_space<hbm>>, %arg3: memref<6400x128xi32, #tpu.memory_space<hbm>>, %arg4: memref<200x64x4096xf32, #tpu.memory_space<hbm>>, %arg5: memref<200x128xi32, #tpu.memory_space<vmem>>, %arg6: memref<2x128x128xf32, #tpu.memory_space<vmem>>, %arg7: memref<2x64x129xf32, #tpu.memory_space<vmem>>, %arg8: memref<!tpu.dma_semaphore, #tpu.memory_space<semaphore_mem>>, %arg9: memref<!tpu.dma_semaphore, #tpu.memory_space<semaphore_mem>>, %arg10: memref<!tpu.dma_semaphore, #tpu.memory_space<semaphore_mem>>, %arg11: memref<!tpu.dma_semaphore, #tpu.memory_space<semaphore_mem>>) attributes {dimension_semantics = [#tpu.dimension_semantics<core_parallel>, #tpu.dimension_semantics<subcore_parallel>], iteration_bounds = array<i64: 2, 16>, scalar_prefetch = 0 : i64, scratch_operands = 7 : i64, tpu.core_type = #tpu.core_type<sc_vector_subcore>, window_params = [{transform_indices = #map}, {transform_indices = #map}, {transform_indices = #map1}]} {
    %mul3A = arith.constant 2 : i32
    %mul3A_0 = arith.muli %arg1, %mul3A : i32
    %add3A = arith.addi %mul3A_0, %arg0 : i32
    %mul3A_1 = arith.constant 200 : i32
    %mul3A_2 = arith.muli %add3A, %mul3A_1 : i32
    %multiple_of3A = tpu.assume_multiple %mul3A_2, 8 : i32
    "tpu.region"() ({
      %run_scoped3A = tpu.sem_alloc : memref<!tpu.dma_semaphore, #tpu.memory_space<semaphore_mem>>
      %dma_start3A_66 = arith.constant 0 : i32
      %dma_start3A_67 = tpu.memref_slice %arg3[%multiple_of3A, %dma_start3A_66] : memref<6400x128xi32, #tpu.memory_space<hbm>> -> memref<200x128xi32, #tpu.memory_space<hbm>>
      %dma_start3A_68 = arith.constant 0 : i32
      %dma_start3A_69 = tpu.memref_slice %arg3[%multiple_of3A, %dma_start3A_68] : memref<6400x128xi32, #tpu.memory_space<hbm>> -> memref<200x128xi32, #tpu.memory_space<hbm>>
      tpu.enqueue_dma source(%dma_start3A_69 : memref<200x128xi32, #tpu.memory_space<hbm>>) target(%arg5 : memref<200x128xi32, #tpu.memory_space<vmem>>) target_semaphore(%run_scoped3A : memref<!tpu.dma_semaphore, #tpu.memory_space<semaphore_mem>>)
      %dma_wait3A_70 = arith.constant 0 : i32
      %dma_wait3A_71 = tpu.memref_slice %arg3[%multiple_of3A, %dma_wait3A_70] : memref<6400x128xi32, #tpu.memory_space<hbm>> -> memref<200x128xi32, #tpu.memory_space<hbm>>
      %dma_wait3A_72 = arith.constant 0 : i32
      %dma_wait3A_73 = tpu.memref_slice %arg3[%multiple_of3A, %dma_wait3A_72] : memref<6400x128xi32, #tpu.memory_space<hbm>> -> memref<200x128xi32, #tpu.memory_space<hbm>>
      tpu.wait_dma2 semaphore(%run_scoped3A : memref<!tpu.dma_semaphore, #tpu.memory_space<semaphore_mem>>) src(%dma_wait3A_73 : memref<200x128xi32, #tpu.memory_space<hbm>>) dst(%arg5 : memref<200x128xi32, #tpu.memory_space<vmem>>)
      tpu.yield
    }) : () -> ()
    %iota3A = tpu.iota {dimensions = array<i32: 0>} : vector<16xi32>
    %dma_start3A = arith.constant 0 : i32
    %dma_start3A_3 = arith.constant 0 : i32
    %dma_start3A_4 = arith.constant 0 : i32
    %dma_start3A_5 = arith.constant 0 : i32
    %dma_start3A_6 = tpu.memref_slice %arg6[%dma_start3A_3, %dma_start3A_4, %dma_start3A_5] : memref<2x128x128xf32, #tpu.memory_space<vmem>> -> memref<1x128x128xf32, #tpu.memory_space<vmem>>
    %dma_start3A_7 = tpu.memref_squeeze %dma_start3A_6 : memref<1x128x128xf32, #tpu.memory_space<vmem>> -> memref<128x128xf32, #tpu.memory_space<vmem>>
    %dma_start3A_8 = arith.constant 0 : i32
    %dma_start3A_9 = tpu.memref_slice %arg5[%dma_start3A, %dma_start3A_8] : memref<200x128xi32, #tpu.memory_space<vmem>> -> memref<1x128xi32, #tpu.memory_space<vmem>>
    %dma_start3A_10 = tpu.memref_squeeze %dma_start3A_9 : memref<1x128xi32, #tpu.memory_space<vmem>> -> memref<128xi32, #tpu.memory_space<vmem>>
    %dma_start3A_11 = arith.constant 0 : i32
    %dma_start3A_12 = arith.constant 0 : i32
    %dma_start3A_13 = tpu.memref_slice %arg2[%dma_start3A_11, %dma_start3A_12] : memref<1000000x128xf32, #tpu.memory_space<hbm>> -> memref<1000000x128xf32, #tpu.memory_space<hbm>>
    tpu.enqueue_indirect_dma source(%dma_start3A_13 : memref<1000000x128xf32, #tpu.memory_space<hbm>>) target(%dma_start3A_7 : memref<128x128xf32, #tpu.memory_space<vmem>>) offsets(%dma_start3A_10 : memref<128xi32, #tpu.memory_space<vmem>>) semaphore(%arg8 : memref<!tpu.dma_semaphore, #tpu.memory_space<semaphore_mem>>)
    %dma_start3A_14 = arith.constant 1 : i32
    %dma_start3A_15 = arith.constant 1 : i32
    %dma_start3A_16 = arith.constant 0 : i32
    %dma_start3A_17 = arith.constant 0 : i32
    %dma_start3A_18 = tpu.memref_slice %arg6[%dma_start3A_15, %dma_start3A_16, %dma_start3A_17] : memref<2x128x128xf32, #tpu.memory_space<vmem>> -> memref<1x128x128xf32, #tpu.memory_space<vmem>>
    %dma_start3A_19 = tpu.memref_squeeze %dma_start3A_18 : memref<1x128x128xf32, #tpu.memory_space<vmem>> -> memref<128x128xf32, #tpu.memory_space<vmem>>
    %dma_start3A_20 = arith.constant 0 : i32
    %dma_start3A_21 = tpu.memref_slice %arg5[%dma_start3A_14, %dma_start3A_20] : memref<200x128xi32, #tpu.memory_space<vmem>> -> memref<1x128xi32, #tpu.memory_space<vmem>>
    %dma_start3A_22 = tpu.memref_squeeze %dma_start3A_21 : memref<1x128xi32, #tpu.memory_space<vmem>> -> memref<128xi32, #tpu.memory_space<vmem>>
    %dma_start3A_23 = arith.constant 0 : i32
    %dma_start3A_24 = arith.constant 0 : i32
    %dma_start3A_25 = tpu.memref_slice %arg2[%dma_start3A_23, %dma_start3A_24] : memref<1000000x128xf32, #tpu.memory_space<hbm>> -> memref<1000000x128xf32, #tpu.memory_space<hbm>>
    tpu.enqueue_indirect_dma source(%dma_start3A_25 : memref<1000000x128xf32, #tpu.memory_space<hbm>>) target(%dma_start3A_19 : memref<128x128xf32, #tpu.memory_space<vmem>>) offsets(%dma_start3A_22 : memref<128xi32, #tpu.memory_space<vmem>>) semaphore(%arg9 : memref<!tpu.dma_semaphore, #tpu.memory_space<semaphore_mem>>)
    %scan3A = arith.constant 0 : i32
    %scan3A_26 = arith.constant 0 : i32
    %scan3A_27 = arith.constant 100 : i32
    %scan3A_28 = arith.addi %scan3A_26, %scan3A_27 : i32
    %scan3A_29 = arith.constant 1 : i32
    scf.for %scan3A_66 = %scan3A_26 to %scan3A_28 step %scan3A_29  : i32 {
      %mul3A_67 = arith.constant 2 : i32
      %mul3A_68 = arith.muli %mul3A_67, %scan3A_66 : i32
      %add3A_69 = arith.constant 0 : i32
      %add3A_70 = arith.addi %mul3A_68, %add3A_69 : i32
      %dma_wait3A_71 = arith.constant 0 : i32
      %dma_wait3A_72 = arith.constant 0 : i32
      %dma_wait3A_73 = arith.constant 0 : i32
      %dma_wait3A_74 = tpu.memref_slice %arg6[%dma_wait3A_71, %dma_wait3A_72, %dma_wait3A_73] : memref<2x128x128xf32, #tpu.memory_space<vmem>> -> memref<1x128x128xf32, #tpu.memory_space<vmem>>
      %dma_wait3A_75 = tpu.memref_squeeze %dma_wait3A_74 : memref<1x128x128xf32, #tpu.memory_space<vmem>> -> memref<128x128xf32, #tpu.memory_space<vmem>>
      %dma_wait3A_76 = arith.constant 0 : i32
      %dma_wait3A_77 = arith.constant 0 : i32
      %dma_wait3A_78 = tpu.memref_slice %arg2[%dma_wait3A_76, %dma_wait3A_77] : memref<1000000x128xf32, #tpu.memory_space<hbm>> -> memref<128x128xf32, #tpu.memory_space<hbm>>
      %dma_wait3A_79 = arith.constant 0 : i32
      %dma_wait3A_80 = arith.constant 0 : i32
      %dma_wait3A_81 = tpu.memref_slice %arg6[%dma_wait3A_71, %dma_wait3A_79, %dma_wait3A_80] : memref<2x128x128xf32, #tpu.memory_space<vmem>> -> memref<1x128x128xf32, #tpu.memory_space<vmem>>
      %dma_wait3A_82 = tpu.memref_squeeze %dma_wait3A_81 : memref<1x128x128xf32, #tpu.memory_space<vmem>> -> memref<128x128xf32, #tpu.memory_space<vmem>>
      %dma_wait3A_83 = arith.constant 0 : i32
      %dma_wait3A_84 = arith.constant 0 : i32
      %dma_wait3A_85 = tpu.memref_slice %arg2[%dma_wait3A_83, %dma_wait3A_84] : memref<1000000x128xf32, #tpu.memory_space<hbm>> -> memref<128x128xf32, #tpu.memory_space<hbm>>
      tpu.wait_dma2 semaphore(%arg8 : memref<!tpu.dma_semaphore, #tpu.memory_space<semaphore_mem>>) src(%dma_wait3A_85 : memref<128x128xf32, #tpu.memory_space<hbm>>) dst(%dma_wait3A_82 : memref<128x128xf32, #tpu.memory_space<vmem>>)
      %gt3A = arith.constant 0 : i32
      %gt3A_86 = arith.cmpi sgt, %scan3A_66, %gt3A : i32
      %convert_element_type3A = arith.extui %gt3A_86 : i1 to i32
      %cond3A = arith.constant 0 : i32
      %cond3A_87 = arith.cmpi ne, %convert_element_type3A, %cond3A : i32
      scf.if %cond3A_87 {
        %dma_wait3A_239 = arith.constant 0 : i32
        %dma_wait3A_240 = arith.constant 0 : i32
        %dma_wait3A_241 = arith.constant 0 : i32
        %dma_wait3A_242 = arith.constant 0 : i32
        %dma_wait3A_243 = tpu.memref_slice %arg7[%dma_wait3A_239, %dma_wait3A_241, %dma_wait3A_242] : memref<2x64x129xf32, #tpu.memory_space<vmem>> -> memref<1x64x128xf32, #tpu.memory_space<vmem>>
        %dma_wait3A_244 = tpu.memref_squeeze %dma_wait3A_243 : memref<1x64x128xf32, #tpu.memory_space<vmem>> -> memref<64x128xf32, #tpu.memory_space<vmem>>
        %dma_wait3A_245 = arith.constant 0 : i32
        %dma_wait3A_246 = arith.constant 0 : i32
        %dma_wait3A_247 = tpu.memref_slice %arg4[%dma_wait3A_240, %dma_wait3A_245, %dma_wait3A_246] : memref<200x64x4096xf32, #tpu.memory_space<hbm>> -> memref<1x64x128xf32, #tpu.memory_space<hbm>>
        %dma_wait3A_248 = tpu.memref_squeeze %dma_wait3A_247 : memref<1x64x128xf32, #tpu.memory_space<hbm>> -> memref<64x128xf32, #tpu.memory_space<hbm>>
        %dma_wait3A_249 = arith.constant 0 : i32
        %dma_wait3A_250 = arith.constant 0 : i32
        %dma_wait3A_251 = tpu.memref_slice %arg4[%dma_wait3A_240, %dma_wait3A_249, %dma_wait3A_250] : memref<200x64x4096xf32, #tpu.memory_space<hbm>> -> memref<1x64x128xf32, #tpu.memory_space<hbm>>
        %dma_wait3A_252 = tpu.memref_squeeze %dma_wait3A_251 : memref<1x64x128xf32, #tpu.memory_space<hbm>> -> memref<64x128xf32, #tpu.memory_space<hbm>>
        %dma_wait3A_253 = arith.constant 0 : i32
        %dma_wait3A_254 = arith.constant 0 : i32
        %dma_wait3A_255 = tpu.memref_slice %arg7[%dma_wait3A_239, %dma_wait3A_253, %dma_wait3A_254] : memref<2x64x129xf32, #tpu.memory_space<vmem>> -> memref<1x64x128xf32, #tpu.memory_space<vmem>>
        %dma_wait3A_256 = tpu.memref_squeeze %dma_wait3A_255 : memref<1x64x128xf32, #tpu.memory_space<vmem>> -> memref<64x128xf32, #tpu.memory_space<vmem>>
        tpu.wait_dma2 semaphore(%arg10 : memref<!tpu.dma_semaphore, #tpu.memory_space<semaphore_mem>>) src(%dma_wait3A_256 : memref<64x128xf32, #tpu.memory_space<vmem>>) dst(%dma_wait3A_252 : memref<64x128xf32, #tpu.memory_space<hbm>>)
      } else {
      }
      %parallel_loop3A = arith.constant 0 : i32
      %parallel_loop3A_88 = arith.constant 64 : i32
      %parallel_loop3A_89 = arith.constant 1 : i32
      scf.for %parallel_loop3A_239 = %parallel_loop3A to %parallel_loop3A_88 step %parallel_loop3A_89  : i32 {
        %parallel_loop3A_240 = vector.broadcast %parallel_loop3A_239 : i32 to vector<16xi32>
        %parallel_loop3A_241 = arith.constant 0 : i32
        %parallel_loop3A_242 = vector.broadcast %parallel_loop3A_241 : i32 to vector<16xi32>
        %parallel_loop3A_243 = arith.addi %iota3A, %parallel_loop3A_242 : vector<16xi32>
        %parallel_loop3A_244 = arith.constant 0 : i32
        %parallel_loop3A_245 = arith.constant 0 : i32
        %parallel_loop3A_246 = arith.constant 0 : i32
        %parallel_loop3A_247 = tpu.memref_slice %arg6[%parallel_loop3A_244, %parallel_loop3A_245, %parallel_loop3A_246] : memref<2x128x128xf32, #tpu.memory_space<vmem>> -> memref<1x128x128xf32, #tpu.memory_space<vmem>>
        %parallel_loop3A_248 = tpu.memref_squeeze %parallel_loop3A_247 : memref<1x128x128xf32, #tpu.memory_space<vmem>> -> memref<128x128xf32, #tpu.memory_space<vmem>>
        %parallel_loop3A_249 = tpu.vector_load_idx %parallel_loop3A_248[%parallel_loop3A_243, %parallel_loop3A_240] : memref<128x128xf32, #tpu.memory_space<vmem>>[vector<16xi32>, vector<16xi32>], vector<16xf32>,
        %parallel_loop3A_250 = arith.constant 0 : i32
        %parallel_loop3A_251 = arith.index_cast %parallel_loop3A_250 : i32 to index
        %parallel_loop3A_252 = arith.index_cast %parallel_loop3A_239 : i32 to index
        %parallel_loop3A_253 = arith.constant 0 : index
        %parallel_loop3A_254 = tpu.vector_load %arg7[%parallel_loop3A_251, %parallel_loop3A_252, %parallel_loop3A_253] {strides = array<i32>} : memref<2x64x129xf32, #tpu.memory_space<vmem>>, vector<16xf32>,
        tpu.vector_store %arg7[%parallel_loop3A_251, %parallel_loop3A_252, %parallel_loop3A_253], %parallel_loop3A_249 {strides = array<i32>} : memref<2x64x129xf32, #tpu.memory_space<vmem>>, vector<16xf32>,
        %parallel_loop3A_255 = arith.constant 16 : i32
        %parallel_loop3A_256 = vector.broadcast %parallel_loop3A_255 : i32 to vector<16xi32>
        %parallel_loop3A_257 = arith.addi %iota3A, %parallel_loop3A_256 : vector<16xi32>
        %parallel_loop3A_258 = arith.constant 0 : i32
        %parallel_loop3A_259 = arith.constant 0 : i32
        %parallel_loop3A_260 = arith.constant 0 : i32
        %parallel_loop3A_261 = tpu.memref_slice %arg6[%parallel_loop3A_258, %parallel_loop3A_259, %parallel_loop3A_260] : memref<2x128x128xf32, #tpu.memory_space<vmem>> -> memref<1x128x128xf32, #tpu.memory_space<vmem>>
        %parallel_loop3A_262 = tpu.memref_squeeze %parallel_loop3A_261 : memref<1x128x128xf32, #tpu.memory_space<vmem>> -> memref<128x128xf32, #tpu.memory_space<vmem>>
        %parallel_loop3A_263 = tpu.vector_load_idx %parallel_loop3A_262[%parallel_loop3A_257, %parallel_loop3A_240] : memref<128x128xf32, #tpu.memory_space<vmem>>[vector<16xi32>, vector<16xi32>], vector<16xf32>,
        %parallel_loop3A_264 = arith.constant 0 : i32
        %parallel_loop3A_265 = arith.index_cast %parallel_loop3A_264 : i32 to index
        %parallel_loop3A_266 = arith.index_cast %parallel_loop3A_239 : i32 to index
        %parallel_loop3A_267 = arith.constant 16 : index
        %parallel_loop3A_268 = tpu.vector_load %arg7[%parallel_loop3A_265, %parallel_loop3A_266, %parallel_loop3A_267] {strides = array<i32>} : memref<2x64x129xf32, #tpu.memory_space<vmem>>, vector<16xf32>,
        tpu.vector_store %arg7[%parallel_loop3A_265, %parallel_loop3A_266, %parallel_loop3A_267], %parallel_loop3A_263 {strides = array<i32>} : memref<2x64x129xf32, #tpu.memory_space<vmem>>, vector<16xf32>,
        %parallel_loop3A_269 = arith.constant 32 : i32
        %parallel_loop3A_270 = vector.broadcast %parallel_loop3A_269 : i32 to vector<16xi32>
        %parallel_loop3A_271 = arith.addi %iota3A, %parallel_loop3A_270 : vector<16xi32>
        %parallel_loop3A_272 = arith.constant 0 : i32
        %parallel_loop3A_273 = arith.constant 0 : i32
        %parallel_loop3A_274 = arith.constant 0 : i32
        %parallel_loop3A_275 = tpu.memref_slice %arg6[%parallel_loop3A_272, %parallel_loop3A_273, %parallel_loop3A_274] : memref<2x128x128xf32, #tpu.memory_space<vmem>> -> memref<1x128x128xf32, #tpu.memory_space<vmem>>
        %parallel_loop3A_276 = tpu.memref_squeeze %parallel_loop3A_275 : memref<1x128x128xf32, #tpu.memory_space<vmem>> -> memref<128x128xf32, #tpu.memory_space<vmem>>
        %parallel_loop3A_277 = tpu.vector_load_idx %parallel_loop3A_276[%parallel_loop3A_271, %parallel_loop3A_240] : memref<128x128xf32, #tpu.memory_space<vmem>>[vector<16xi32>, vector<16xi32>], vector<16xf32>,
        %parallel_loop3A_278 = arith.constant 0 : i32
        %parallel_loop3A_279 = arith.index_cast %parallel_loop3A_278 : i32 to index
        %parallel_loop3A_280 = arith.index_cast %parallel_loop3A_239 : i32 to index
        %parallel_loop3A_281 = arith.constant 32 : index
        %parallel_loop3A_282 = tpu.vector_load %arg7[%parallel_loop3A_279, %parallel_loop3A_280, %parallel_loop3A_281] {strides = array<i32>} : memref<2x64x129xf32, #tpu.memory_space<vmem>>, vector<16xf32>,
        tpu.vector_store %arg7[%parallel_loop3A_279, %parallel_loop3A_280, %parallel_loop3A_281], %parallel_loop3A_277 {strides = array<i32>} : memref<2x64x129xf32, #tpu.memory_space<vmem>>, vector<16xf32>,
        %parallel_loop3A_283 = arith.constant 48 : i32
        %parallel_loop3A_284 = vector.broadcast %parallel_loop3A_283 : i32 to vector<16xi32>
        %parallel_loop3A_285 = arith.addi %iota3A, %parallel_loop3A_284 : vector<16xi32>
        %parallel_loop3A_286 = arith.constant 0 : i32
        %parallel_loop3A_287 = arith.constant 0 : i32
        %parallel_loop3A_288 = arith.constant 0 : i32
        %parallel_loop3A_289 = tpu.memref_slice %arg6[%parallel_loop3A_286, %parallel_loop3A_287, %parallel_loop3A_288] : memref<2x128x128xf32, #tpu.memory_space<vmem>> -> memref<1x128x128xf32, #tpu.memory_space<vmem>>
        %parallel_loop3A_290 = tpu.memref_squeeze %parallel_loop3A_289 : memref<1x128x128xf32, #tpu.memory_space<vmem>> -> memref<128x128xf32, #tpu.memory_space<vmem>>
        %parallel_loop3A_291 = tpu.vector_load_idx %parallel_loop3A_290[%parallel_loop3A_285, %parallel_loop3A_240] : memref<128x128xf32, #tpu.memory_space<vmem>>[vector<16xi32>, vector<16xi32>], vector<16xf32>,
        %parallel_loop3A_292 = arith.constant 0 : i32
        %parallel_loop3A_293 = arith.index_cast %parallel_loop3A_292 : i32 to index
        %parallel_loop3A_294 = arith.index_cast %parallel_loop3A_239 : i32 to index
        %parallel_loop3A_295 = arith.constant 48 : index
        %parallel_loop3A_296 = tpu.vector_load %arg7[%parallel_loop3A_293, %parallel_loop3A_294, %parallel_loop3A_295] {strides = array<i32>} : memref<2x64x129xf32, #tpu.memory_space<vmem>>, vector<16xf32>,
        tpu.vector_store %arg7[%parallel_loop3A_293, %parallel_loop3A_294, %parallel_loop3A_295], %parallel_loop3A_291 {strides = array<i32>} : memref<2x64x129xf32, #tpu.memory_space<vmem>>, vector<16xf32>,
        %parallel_loop3A_297 = arith.constant 64 : i32
        %parallel_loop3A_298 = vector.broadcast %parallel_loop3A_297 : i32 to vector<16xi32>
        %parallel_loop3A_299 = arith.addi %iota3A, %parallel_loop3A_298 : vector<16xi32>
        %parallel_loop3A_300 = arith.constant 0 : i32
        %parallel_loop3A_301 = arith.constant 0 : i32
        %parallel_loop3A_302 = arith.constant 0 : i32
        %parallel_loop3A_303 = tpu.memref_slice %arg6[%parallel_loop3A_300, %parallel_loop3A_301, %parallel_loop3A_302] : memref<2x128x128xf32, #tpu.memory_space<vmem>> -> memref<1x128x128xf32, #tpu.memory_space<vmem>>
        %parallel_loop3A_304 = tpu.memref_squeeze %parallel_loop3A_303 : memref<1x128x128xf32, #tpu.memory_space<vmem>> -> memref<128x128xf32, #tpu.memory_space<vmem>>
        %parallel_loop3A_305 = tpu.vector_load_idx %parallel_loop3A_304[%parallel_loop3A_299, %parallel_loop3A_240] : memref<128x128xf32, #tpu.memory_space<vmem>>[vector<16xi32>, vector<16xi32>], vector<16xf32>,
        %parallel_loop3A_306 = arith.constant 0 : i32
        %parallel_loop3A_307 = arith.index_cast %parallel_loop3A_306 : i32 to index
        %parallel_loop3A_308 = arith.index_cast %parallel_loop3A_239 : i32 to index
        %parallel_loop3A_309 = arith.constant 64 : index
        %parallel_loop3A_310 = tpu.vector_load %arg7[%parallel_loop3A_307, %parallel_loop3A_308, %parallel_loop3A_309] {strides = array<i32>} : memref<2x64x129xf32, #tpu.memory_space<vmem>>, vector<16xf32>,
        tpu.vector_store %arg7[%parallel_loop3A_307, %parallel_loop3A_308, %parallel_loop3A_309], %parallel_loop3A_305 {strides = array<i32>} : memref<2x64x129xf32, #tpu.memory_space<vmem>>, vector<16xf32>,
        %parallel_loop3A_311 = arith.constant 80 : i32
        %parallel_loop3A_312 = vector.broadcast %parallel_loop3A_311 : i32 to vector<16xi32>
        %parallel_loop3A_313 = arith.addi %iota3A, %parallel_loop3A_312 : vector<16xi32>
        %parallel_loop3A_314 = arith.constant 0 : i32
        %parallel_loop3A_315 = arith.constant 0 : i32
        %parallel_loop3A_316 = arith.constant 0 : i32
        %parallel_loop3A_317 = tpu.memref_slice %arg6[%parallel_loop3A_314, %parallel_loop3A_315, %parallel_loop3A_316] : memref<2x128x128xf32, #tpu.memory_space<vmem>> -> memref<1x128x128xf32, #tpu.memory_space<vmem>>
        %parallel_loop3A_318 = tpu.memref_squeeze %parallel_loop3A_317 : memref<1x128x128xf32, #tpu.memory_space<vmem>> -> memref<128x128xf32, #tpu.memory_space<vmem>>
        %parallel_loop3A_319 = tpu.vector_load_idx %parallel_loop3A_318[%parallel_loop3A_313, %parallel_loop3A_240] : memref<128x128xf32, #tpu.memory_space<vmem>>[vector<16xi32>, vector<16xi32>], vector<16xf32>,
        %parallel_loop3A_320 = arith.constant 0 : i32
        %parallel_loop3A_321 = arith.index_cast %parallel_loop3A_320 : i32 to index
        %parallel_loop3A_322 = arith.index_cast %parallel_loop3A_239 : i32 to index
        %parallel_loop3A_323 = arith.constant 80 : index
        %parallel_loop3A_324 = tpu.vector_load %arg7[%parallel_loop3A_321, %parallel_loop3A_322, %parallel_loop3A_323] {strides = array<i32>} : memref<2x64x129xf32, #tpu.memory_space<vmem>>, vector<16xf32>,
        tpu.vector_store %arg7[%parallel_loop3A_321, %parallel_loop3A_322, %parallel_loop3A_323], %parallel_loop3A_319 {strides = array<i32>} : memref<2x64x129xf32, #tpu.memory_space<vmem>>, vector<16xf32>,
        %parallel_loop3A_325 = arith.constant 96 : i32
        %parallel_loop3A_326 = vector.broadcast %parallel_loop3A_325 : i32 to vector<16xi32>
        %parallel_loop3A_327 = arith.addi %iota3A, %parallel_loop3A_326 : vector<16xi32>
        %parallel_loop3A_328 = arith.constant 0 : i32
        %parallel_loop3A_329 = arith.constant 0 : i32
        %parallel_loop3A_330 = arith.constant 0 : i32
        %parallel_loop3A_331 = tpu.memref_slice %arg6[%parallel_loop3A_328, %parallel_loop3A_329, %parallel_loop3A_330] : memref<2x128x128xf32, #tpu.memory_space<vmem>> -> memref<1x128x128xf32, #tpu.memory_space<vmem>>
        %parallel_loop3A_332 = tpu.memref_squeeze %parallel_loop3A_331 : memref<1x128x128xf32, #tpu.memory_space<vmem>> -> memref<128x128xf32, #tpu.memory_space<vmem>>
        %parallel_loop3A_333 = tpu.vector_load_idx %parallel_loop3A_332[%parallel_loop3A_327, %parallel_loop3A_240] : memref<128x128xf32, #tpu.memory_space<vmem>>[vector<16xi32>, vector<16xi32>], vector<16xf32>,
        %parallel_loop3A_334 = arith.constant 0 : i32
        %parallel_loop3A_335 = arith.index_cast %parallel_loop3A_334 : i32 to index
        %parallel_loop3A_336 = arith.index_cast %parallel_loop3A_239 : i32 to index
        %parallel_loop3A_337 = arith.constant 96 : index
        %parallel_loop3A_338 = tpu.vector_load %arg7[%parallel_loop3A_335, %parallel_loop3A_336, %parallel_loop3A_337] {strides = array<i32>} : memref<2x64x129xf32, #tpu.memory_space<vmem>>, vector<16xf32>,
        tpu.vector_store %arg7[%parallel_loop3A_335, %parallel_loop3A_336, %parallel_loop3A_337], %parallel_loop3A_333 {strides = array<i32>} : memref<2x64x129xf32, #tpu.memory_space<vmem>>, vector<16xf32>,
        %parallel_loop3A_339 = arith.constant 112 : i32
        %parallel_loop3A_340 = vector.broadcast %parallel_loop3A_339 : i32 to vector<16xi32>
        %parallel_loop3A_341 = arith.addi %iota3A, %parallel_loop3A_340 : vector<16xi32>
        %parallel_loop3A_342 = arith.constant 0 : i32
        %parallel_loop3A_343 = arith.constant 0 : i32
        %parallel_loop3A_344 = arith.constant 0 : i32
        %parallel_loop3A_345 = tpu.memref_slice %arg6[%parallel_loop3A_342, %parallel_loop3A_343, %parallel_loop3A_344] : memref<2x128x128xf32, #tpu.memory_space<vmem>> -> memref<1x128x128xf32, #tpu.memory_space<vmem>>
        %parallel_loop3A_346 = tpu.memref_squeeze %parallel_loop3A_345 : memref<1x128x128xf32, #tpu.memory_space<vmem>> -> memref<128x128xf32, #tpu.memory_space<vmem>>
        %parallel_loop3A_347 = tpu.vector_load_idx %parallel_loop3A_346[%parallel_loop3A_341, %parallel_loop3A_240] : memref<128x128xf32, #tpu.memory_space<vmem>>[vector<16xi32>, vector<16xi32>], vector<16xf32>,
        %parallel_loop3A_348 = arith.constant 0 : i32
        %parallel_loop3A_349 = arith.index_cast %parallel_loop3A_348 : i32 to index
        %parallel_loop3A_350 = arith.index_cast %parallel_loop3A_239 : i32 to index
        %parallel_loop3A_351 = arith.constant 112 : index
        %parallel_loop3A_352 = tpu.vector_load %arg7[%parallel_loop3A_349, %parallel_loop3A_350, %parallel_loop3A_351] {strides = array<i32>} : memref<2x64x129xf32, #tpu.memory_space<vmem>>, vector<16xf32>,
        tpu.vector_store %arg7[%parallel_loop3A_349, %parallel_loop3A_350, %parallel_loop3A_351], %parallel_loop3A_347 {strides = array<i32>} : memref<2x64x129xf32, #tpu.memory_space<vmem>>, vector<16xf32>,
      } {sc.loop_unroll_factor = 4 : i64, sc.parallel_access}
      %add3A_90 = arith.addi %multiple_of3A, %add3A_70 : i32
      %jit3A = arith.constant 32 : i32
      %div3A = arith.divsi %add3A_90, %jit3A : i32
      %sign3A = arith.constant 0 : i32
      %sign3A_91 = arith.cmpi sgt, %add3A_90, %sign3A : i32
      %sign3A_92 = arith.extui %sign3A_91 : i1 to i32
      %sign3A_93 = arith.constant 0 : i32
      %sign3A_94 = arith.cmpi slt, %add3A_90, %sign3A_93 : i32
      %sign3A_95 = arith.extui %sign3A_94 : i1 to i32
      %sign3A_96 = arith.subi %sign3A_92, %sign3A_95 : i32
      %sign3A_97 = arith.constant 0 : i32
      %sign3A_98 = arith.cmpi sgt, %jit3A, %sign3A_97 : i32
      %sign3A_99 = arith.extui %sign3A_98 : i1 to i32
      %sign3A_100 = arith.constant 0 : i32
      %sign3A_101 = arith.cmpi slt, %jit3A, %sign3A_100 : i32
      %sign3A_102 = arith.extui %sign3A_101 : i1 to i32
      %sign3A_103 = arith.subi %sign3A_99, %sign3A_102 : i32
      %ne3A = arith.cmpi ne, %sign3A_96, %sign3A_103 : i32
      %rem3A = arith.remsi %add3A_90, %jit3A : i32
      %ne3A_104 = arith.constant 0 : i32
      %ne3A_105 = arith.cmpi ne, %rem3A, %ne3A_104 : i32
      %and3A = arith.andi %ne3A, %ne3A_105 : i1
      %sub3A = arith.constant 1 : i32
      %sub3A_106 = arith.subi %div3A, %sub3A : i32
      %select_n3A = arith.select %and3A, %sub3A_106, %div3A : i32
      %jit3A_107 = arith.constant 32 : i32
      %eq3A = arith.constant 0 : i32
      %eq3A_108 = arith.cmpi eq, %jit3A_107, %eq3A : i32
      %jit3A_109 = arith.constant 1 : i32
      %select_n3A_110 = arith.select %eq3A_108, %jit3A_109, %jit3A_107 : i32
      %rem3A_111 = arith.remsi %add3A_90, %select_n3A_110 : i32
      %ne3A_112 = arith.constant 0 : i32
      %ne3A_113 = arith.cmpi ne, %rem3A_111, %ne3A_112 : i32
      %lt3A = arith.constant 0 : i32
      %lt3A_114 = arith.cmpi slt, %rem3A_111, %lt3A : i32
      %lt3A_115 = arith.constant 0 : i32
      %lt3A_116 = arith.cmpi slt, %select_n3A_110, %lt3A_115 : i32
      %ne3A_117 = arith.xori %lt3A_114, %lt3A_116 : i1
      %and3A_118 = arith.andi %ne3A_117, %ne3A_113 : i1
      %add3A_119 = arith.addi %rem3A_111, %select_n3A_110 : i32
      %select_n3A_120 = arith.select %and3A_118, %add3A_119, %rem3A_111 : i32
      %mul3A_121 = arith.constant 128 : i32
      %mul3A_122 = arith.muli %select_n3A_120, %mul3A_121 : i32
      %multiple_of3A_123 = tpu.assume_multiple %mul3A_122, 128 : i32
      %dma_start3A_124 = arith.constant 0 : i32
      %dma_start3A_125 = arith.constant 0 : i32
      %dma_start3A_126 = arith.constant 0 : i32
      %dma_start3A_127 = tpu.memref_slice %arg7[%dma_start3A_124, %dma_start3A_125, %dma_start3A_126] : memref<2x64x129xf32, #tpu.memory_space<vmem>> -> memref<1x64x128xf32, #tpu.memory_space<vmem>>
      %dma_start3A_128 = tpu.memref_squeeze %dma_start3A_127 : memref<1x64x128xf32, #tpu.memory_space<vmem>> -> memref<64x128xf32, #tpu.memory_space<vmem>>
      %dma_start3A_129 = arith.constant 0 : i32
      %dma_start3A_130 = tpu.memref_slice %arg4[%select_n3A, %dma_start3A_129, %multiple_of3A_123] : memref<200x64x4096xf32, #tpu.memory_space<hbm>> -> memref<1x64x128xf32, #tpu.memory_space<hbm>>
      %dma_start3A_131 = tpu.memref_squeeze %dma_start3A_130 : memref<1x64x128xf32, #tpu.memory_space<hbm>> -> memref<64x128xf32, #tpu.memory_space<hbm>>
      %dma_start3A_132 = arith.constant 0 : i32
      %dma_start3A_133 = tpu.memref_slice %arg4[%select_n3A, %dma_start3A_132, %multiple_of3A_123] : memref<200x64x4096xf32, #tpu.memory_space<hbm>> -> memref<1x64x128xf32, #tpu.memory_space<hbm>>
      %dma_start3A_134 = tpu.memref_squeeze %dma_start3A_133 : memref<1x64x128xf32, #tpu.memory_space<hbm>> -> memref<64x128xf32, #tpu.memory_space<hbm>>
      %dma_start3A_135 = arith.constant 0 : i32
      %dma_start3A_136 = arith.constant 0 : i32
      %dma_start3A_137 = tpu.memref_slice %arg7[%dma_start3A_124, %dma_start3A_135, %dma_start3A_136] : memref<2x64x129xf32, #tpu.memory_space<vmem>> -> memref<1x64x128xf32, #tpu.memory_space<vmem>>
      %dma_start3A_138 = tpu.memref_squeeze %dma_start3A_137 : memref<1x64x128xf32, #tpu.memory_space<vmem>> -> memref<64x128xf32, #tpu.memory_space<vmem>>
      tpu.enqueue_dma source(%dma_start3A_138 : memref<64x128xf32, #tpu.memory_space<vmem>>) target(%dma_start3A_134 : memref<64x128xf32, #tpu.memory_space<hbm>>) target_semaphore(%arg10 : memref<!tpu.dma_semaphore, #tpu.memory_space<semaphore_mem>>)
      %add3A_139 = arith.constant 2 : i32
      %add3A_140 = arith.addi %add3A_70, %add3A_139 : i32
      %lt3A_141 = arith.constant 200 : i32
      %lt3A_142 = arith.cmpi slt, %add3A_140, %lt3A_141 : i32
      %convert_element_type3A_143 = arith.extui %lt3A_142 : i1 to i32
      %cond3A_144 = arith.constant 0 : i32
      %cond3A_145 = arith.cmpi ne, %convert_element_type3A_143, %cond3A_144 : i32
      scf.if %cond3A_145 {
        %add3A_239 = arith.constant 2 : i32
        %add3A_240 = arith.addi %add3A_70, %add3A_239 : i32
        %dma_start3A_241 = arith.constant 0 : i32
        %dma_start3A_242 = arith.constant 0 : i32
        %dma_start3A_243 = arith.constant 0 : i32
        %dma_start3A_244 = tpu.memref_slice %arg6[%dma_start3A_241, %dma_start3A_242, %dma_start3A_243] : memref<2x128x128xf32, #tpu.memory_space<vmem>> -> memref<1x128x128xf32, #tpu.memory_space<vmem>>
        %dma_start3A_245 = tpu.memref_squeeze %dma_start3A_244 : memref<1x128x128xf32, #tpu.memory_space<vmem>> -> memref<128x128xf32, #tpu.memory_space<vmem>>
        %dma_start3A_246 = arith.constant 0 : i32
        %dma_start3A_247 = tpu.memref_slice %arg5[%add3A_240, %dma_start3A_246] : memref<200x128xi32, #tpu.memory_space<vmem>> -> memref<1x128xi32, #tpu.memory_space<vmem>>
        %dma_start3A_248 = tpu.memref_squeeze %dma_start3A_247 : memref<1x128xi32, #tpu.memory_space<vmem>> -> memref<128xi32, #tpu.memory_space<vmem>>
        %dma_start3A_249 = arith.constant 0 : i32
        %dma_start3A_250 = arith.constant 0 : i32
        %dma_start3A_251 = tpu.memref_slice %arg2[%dma_start3A_249, %dma_start3A_250] : memref<1000000x128xf32, #tpu.memory_space<hbm>> -> memref<1000000x128xf32, #tpu.memory_space<hbm>>
        tpu.enqueue_indirect_dma source(%dma_start3A_251 : memref<1000000x128xf32, #tpu.memory_space<hbm>>) target(%dma_start3A_245 : memref<128x128xf32, #tpu.memory_space<vmem>>) offsets(%dma_start3A_248 : memref<128xi32, #tpu.memory_space<vmem>>) semaphore(%arg8 : memref<!tpu.dma_semaphore, #tpu.memory_space<semaphore_mem>>)
      } else {
      }
      %mul3A_146 = arith.constant 2 : i32
      %mul3A_147 = arith.muli %mul3A_146, %scan3A_66 : i32
      %add3A_148 = arith.constant 1 : i32
      %add3A_149 = arith.addi %mul3A_147, %add3A_148 : i32
      %dma_wait3A_150 = arith.constant 1 : i32
      %dma_wait3A_151 = arith.constant 0 : i32
      %dma_wait3A_152 = arith.constant 0 : i32
      %dma_wait3A_153 = tpu.memref_slice %arg6[%dma_wait3A_150, %dma_wait3A_151, %dma_wait3A_152] : memref<2x128x128xf32, #tpu.memory_space<vmem>> -> memref<1x128x128xf32, #tpu.memory_space<vmem>>
      %dma_wait3A_154 = tpu.memref_squeeze %dma_wait3A_153 : memref<1x128x128xf32, #tpu.memory_space<vmem>> -> memref<128x128xf32, #tpu.memory_space<vmem>>
      %dma_wait3A_155 = arith.constant 0 : i32
      %dma_wait3A_156 = arith.constant 0 : i32
      %dma_wait3A_157 = tpu.memref_slice %arg2[%dma_wait3A_155, %dma_wait3A_156] : memref<1000000x128xf32, #tpu.memory_space<hbm>> -> memref<128x128xf32, #tpu.memory_space<hbm>>
      %dma_wait3A_158 = arith.constant 0 : i32
      %dma_wait3A_159 = arith.constant 0 : i32
      %dma_wait3A_160 = tpu.memref_slice %arg6[%dma_wait3A_150, %dma_wait3A_158, %dma_wait3A_159] : memref<2x128x128xf32, #tpu.memory_space<vmem>> -> memref<1x128x128xf32, #tpu.memory_space<vmem>>
      %dma_wait3A_161 = tpu.memref_squeeze %dma_wait3A_160 : memref<1x128x128xf32, #tpu.memory_space<vmem>> -> memref<128x128xf32, #tpu.memory_space<vmem>>
      %dma_wait3A_162 = arith.constant 0 : i32
      %dma_wait3A_163 = arith.constant 0 : i32
      %dma_wait3A_164 = tpu.memref_slice %arg2[%dma_wait3A_162, %dma_wait3A_163] : memref<1000000x128xf32, #tpu.memory_space<hbm>> -> memref<128x128xf32, #tpu.memory_space<hbm>>
      tpu.wait_dma2 semaphore(%arg9 : memref<!tpu.dma_semaphore, #tpu.memory_space<semaphore_mem>>) src(%dma_wait3A_164 : memref<128x128xf32, #tpu.memory_space<hbm>>) dst(%dma_wait3A_161 : memref<128x128xf32, #tpu.memory_space<vmem>>)
      %gt3A_165 = arith.constant 0 : i32
      %gt3A_166 = arith.cmpi sgt, %scan3A_66, %gt3A_165 : i32
      %convert_element_type3A_167 = arith.extui %gt3A_166 : i1 to i32
      %cond3A_168 = arith.constant 0 : i32
      %cond3A_169 = arith.cmpi ne, %convert_element_type3A_167, %cond3A_168 : i32
      scf.if %cond3A_169 {
        %dma_wait3A_239 = arith.constant 1 : i32
        %dma_wait3A_240 = arith.constant 0 : i32
        %dma_wait3A_241 = arith.constant 0 : i32
        %dma_wait3A_242 = arith.constant 0 : i32
        %dma_wait3A_243 = tpu.memref_slice %arg7[%dma_wait3A_239, %dma_wait3A_241, %dma_wait3A_242] : memref<2x64x129xf32, #tpu.memory_space<vmem>> -> memref<1x64x128xf32, #tpu.memory_space<vmem>>
        %dma_wait3A_244 = tpu.memref_squeeze %dma_wait3A_243 : memref<1x64x128xf32, #tpu.memory_space<vmem>> -> memref<64x128xf32, #tpu.memory_space<vmem>>
        %dma_wait3A_245 = arith.constant 0 : i32
        %dma_wait3A_246 = arith.constant 0 : i32
        %dma_wait3A_247 = tpu.memref_slice %arg4[%dma_wait3A_240, %dma_wait3A_245, %dma_wait3A_246] : memref<200x64x4096xf32, #tpu.memory_space<hbm>> -> memref<1x64x128xf32, #tpu.memory_space<hbm>>
        %dma_wait3A_248 = tpu.memref_squeeze %dma_wait3A_247 : memref<1x64x128xf32, #tpu.memory_space<hbm>> -> memref<64x128xf32, #tpu.memory_space<hbm>>
        %dma_wait3A_249 = arith.constant 0 : i32
        %dma_wait3A_250 = arith.constant 0 : i32
        %dma_wait3A_251 = tpu.memref_slice %arg4[%dma_wait3A_240, %dma_wait3A_249, %dma_wait3A_250] : memref<200x64x4096xf32, #tpu.memory_space<hbm>> -> memref<1x64x128xf32, #tpu.memory_space<hbm>>
        %dma_wait3A_252 = tpu.memref_squeeze %dma_wait3A_251 : memref<1x64x128xf32, #tpu.memory_space<hbm>> -> memref<64x128xf32, #tpu.memory_space<hbm>>
        %dma_wait3A_253 = arith.constant 0 : i32
        %dma_wait3A_254 = arith.constant 0 : i32
        %dma_wait3A_255 = tpu.memref_slice %arg7[%dma_wait3A_239, %dma_wait3A_253, %dma_wait3A_254] : memref<2x64x129xf32, #tpu.memory_space<vmem>> -> memref<1x64x128xf32, #tpu.memory_space<vmem>>
        %dma_wait3A_256 = tpu.memref_squeeze %dma_wait3A_255 : memref<1x64x128xf32, #tpu.memory_space<vmem>> -> memref<64x128xf32, #tpu.memory_space<vmem>>
        tpu.wait_dma2 semaphore(%arg11 : memref<!tpu.dma_semaphore, #tpu.memory_space<semaphore_mem>>) src(%dma_wait3A_256 : memref<64x128xf32, #tpu.memory_space<vmem>>) dst(%dma_wait3A_252 : memref<64x128xf32, #tpu.memory_space<hbm>>)
      } else {
      }
      %parallel_loop3A_170 = arith.constant 0 : i32
      %parallel_loop3A_171 = arith.constant 64 : i32
      %parallel_loop3A_172 = arith.constant 1 : i32
      scf.for %parallel_loop3A_239 = %parallel_loop3A_170 to %parallel_loop3A_171 step %parallel_loop3A_172  : i32 {
        %parallel_loop3A_240 = vector.broadcast %parallel_loop3A_239 : i32 to vector<16xi32>
        %parallel_loop3A_241 = arith.constant 0 : i32
        %parallel_loop3A_242 = vector.broadcast %parallel_loop3A_241 : i32 to vector<16xi32>
        %parallel_loop3A_243 = arith.addi %iota3A, %parallel_loop3A_242 : vector<16xi32>
        %parallel_loop3A_244 = arith.constant 1 : i32
        %parallel_loop3A_245 = arith.constant 0 : i32
        %parallel_loop3A_246 = arith.constant 0 : i32
        %parallel_loop3A_247 = tpu.memref_slice %arg6[%parallel_loop3A_244, %parallel_loop3A_245, %parallel_loop3A_246] : memref<2x128x128xf32, #tpu.memory_space<vmem>> -> memref<1x128x128xf32, #tpu.memory_space<vmem>>
        %parallel_loop3A_248 = tpu.memref_squeeze %parallel_loop3A_247 : memref<1x128x128xf32, #tpu.memory_space<vmem>> -> memref<128x128xf32, #tpu.memory_space<vmem>>
        %parallel_loop3A_249 = tpu.vector_load_idx %parallel_loop3A_248[%parallel_loop3A_243, %parallel_loop3A_240] : memref<128x128xf32, #tpu.memory_space<vmem>>[vector<16xi32>, vector<16xi32>], vector<16xf32>,
        %parallel_loop3A_250 = arith.constant 1 : i32
        %parallel_loop3A_251 = arith.index_cast %parallel_loop3A_250 : i32 to index
        %parallel_loop3A_252 = arith.index_cast %parallel_loop3A_239 : i32 to index
        %parallel_loop3A_253 = arith.constant 0 : index
        %parallel_loop3A_254 = tpu.vector_load %arg7[%parallel_loop3A_251, %parallel_loop3A_252, %parallel_loop3A_253] {strides = array<i32>} : memref<2x64x129xf32, #tpu.memory_space<vmem>>, vector<16xf32>,
        tpu.vector_store %arg7[%parallel_loop3A_251, %parallel_loop3A_252, %parallel_loop3A_253], %parallel_loop3A_249 {strides = array<i32>} : memref<2x64x129xf32, #tpu.memory_space<vmem>>, vector<16xf32>,
        %parallel_loop3A_255 = arith.constant 16 : i32
        %parallel_loop3A_256 = vector.broadcast %parallel_loop3A_255 : i32 to vector<16xi32>
        %parallel_loop3A_257 = arith.addi %iota3A, %parallel_loop3A_256 : vector<16xi32>
        %parallel_loop3A_258 = arith.constant 1 : i32
        %parallel_loop3A_259 = arith.constant 0 : i32
        %parallel_loop3A_260 = arith.constant 0 : i32
        %parallel_loop3A_261 = tpu.memref_slice %arg6[%parallel_loop3A_258, %parallel_loop3A_259, %parallel_loop3A_260] : memref<2x128x128xf32, #tpu.memory_space<vmem>> -> memref<1x128x128xf32, #tpu.memory_space<vmem>>
        %parallel_loop3A_262 = tpu.memref_squeeze %parallel_loop3A_261 : memref<1x128x128xf32, #tpu.memory_space<vmem>> -> memref<128x128xf32, #tpu.memory_space<vmem>>
        %parallel_loop3A_263 = tpu.vector_load_idx %parallel_loop3A_262[%parallel_loop3A_257, %parallel_loop3A_240] : memref<128x128xf32, #tpu.memory_space<vmem>>[vector<16xi32>, vector<16xi32>], vector<16xf32>,
        %parallel_loop3A_264 = arith.constant 1 : i32
        %parallel_loop3A_265 = arith.index_cast %parallel_loop3A_264 : i32 to index
        %parallel_loop3A_266 = arith.index_cast %parallel_loop3A_239 : i32 to index
        %parallel_loop3A_267 = arith.constant 16 : index
        %parallel_loop3A_268 = tpu.vector_load %arg7[%parallel_loop3A_265, %parallel_loop3A_266, %parallel_loop3A_267] {strides = array<i32>} : memref<2x64x129xf32, #tpu.memory_space<vmem>>, vector<16xf32>,
        tpu.vector_store %arg7[%parallel_loop3A_265, %parallel_loop3A_266, %parallel_loop3A_267], %parallel_loop3A_263 {strides = array<i32>} : memref<2x64x129xf32, #tpu.memory_space<vmem>>, vector<16xf32>,
        %parallel_loop3A_269 = arith.constant 32 : i32
        %parallel_loop3A_270 = vector.broadcast %parallel_loop3A_269 : i32 to vector<16xi32>
        %parallel_loop3A_271 = arith.addi %iota3A, %parallel_loop3A_270 : vector<16xi32>
        %parallel_loop3A_272 = arith.constant 1 : i32
        %parallel_loop3A_273 = arith.constant 0 : i32
        %parallel_loop3A_274 = arith.constant 0 : i32
        %parallel_loop3A_275 = tpu.memref_slice %arg6[%parallel_loop3A_272, %parallel_loop3A_273, %parallel_loop3A_274] : memref<2x128x128xf32, #tpu.memory_space<vmem>> -> memref<1x128x128xf32, #tpu.memory_space<vmem>>
        %parallel_loop3A_276 = tpu.memref_squeeze %parallel_loop3A_275 : memref<1x128x128xf32, #tpu.memory_space<vmem>> -> memref<128x128xf32, #tpu.memory_space<vmem>>
        %parallel_loop3A_277 = tpu.vector_load_idx %parallel_loop3A_276[%parallel_loop3A_271, %parallel_loop3A_240] : memref<128x128xf32, #tpu.memory_space<vmem>>[vector<16xi32>, vector<16xi32>], vector<16xf32>,
        %parallel_loop3A_278 = arith.constant 1 : i32
        %parallel_loop3A_279 = arith.index_cast %parallel_loop3A_278 : i32 to index
        %parallel_loop3A_280 = arith.index_cast %parallel_loop3A_239 : i32 to index
        %parallel_loop3A_281 = arith.constant 32 : index
        %parallel_loop3A_282 = tpu.vector_load %arg7[%parallel_loop3A_279, %parallel_loop3A_280, %parallel_loop3A_281] {strides = array<i32>} : memref<2x64x129xf32, #tpu.memory_space<vmem>>, vector<16xf32>,
        tpu.vector_store %arg7[%parallel_loop3A_279, %parallel_loop3A_280, %parallel_loop3A_281], %parallel_loop3A_277 {strides = array<i32>} : memref<2x64x129xf32, #tpu.memory_space<vmem>>, vector<16xf32>,
        %parallel_loop3A_283 = arith.constant 48 : i32
        %parallel_loop3A_284 = vector.broadcast %parallel_loop3A_283 : i32 to vector<16xi32>
        %parallel_loop3A_285 = arith.addi %iota3A, %parallel_loop3A_284 : vector<16xi32>
        %parallel_loop3A_286 = arith.constant 1 : i32
        %parallel_loop3A_287 = arith.constant 0 : i32
        %parallel_loop3A_288 = arith.constant 0 : i32
        %parallel_loop3A_289 = tpu.memref_slice %arg6[%parallel_loop3A_286, %parallel_loop3A_287, %parallel_loop3A_288] : memref<2x128x128xf32, #tpu.memory_space<vmem>> -> memref<1x128x128xf32, #tpu.memory_space<vmem>>
        %parallel_loop3A_290 = tpu.memref_squeeze %parallel_loop3A_289 : memref<1x128x128xf32, #tpu.memory_space<vmem>> -> memref<128x128xf32, #tpu.memory_space<vmem>>
        %parallel_loop3A_291 = tpu.vector_load_idx %parallel_loop3A_290[%parallel_loop3A_285, %parallel_loop3A_240] : memref<128x128xf32, #tpu.memory_space<vmem>>[vector<16xi32>, vector<16xi32>], vector<16xf32>,
        %parallel_loop3A_292 = arith.constant 1 : i32
        %parallel_loop3A_293 = arith.index_cast %parallel_loop3A_292 : i32 to index
        %parallel_loop3A_294 = arith.index_cast %parallel_loop3A_239 : i32 to index
        %parallel_loop3A_295 = arith.constant 48 : index
        %parallel_loop3A_296 = tpu.vector_load %arg7[%parallel_loop3A_293, %parallel_loop3A_294, %parallel_loop3A_295] {strides = array<i32>} : memref<2x64x129xf32, #tpu.memory_space<vmem>>, vector<16xf32>,
        tpu.vector_store %arg7[%parallel_loop3A_293, %parallel_loop3A_294, %parallel_loop3A_295], %parallel_loop3A_291 {strides = array<i32>} : memref<2x64x129xf32, #tpu.memory_space<vmem>>, vector<16xf32>,
        %parallel_loop3A_297 = arith.constant 64 : i32
        %parallel_loop3A_298 = vector.broadcast %parallel_loop3A_297 : i32 to vector<16xi32>
        %parallel_loop3A_299 = arith.addi %iota3A, %parallel_loop3A_298 : vector<16xi32>
        %parallel_loop3A_300 = arith.constant 1 : i32
        %parallel_loop3A_301 = arith.constant 0 : i32
        %parallel_loop3A_302 = arith.constant 0 : i32
        %parallel_loop3A_303 = tpu.memref_slice %arg6[%parallel_loop3A_300, %parallel_loop3A_301, %parallel_loop3A_302] : memref<2x128x128xf32, #tpu.memory_space<vmem>> -> memref<1x128x128xf32, #tpu.memory_space<vmem>>
        %parallel_loop3A_304 = tpu.memref_squeeze %parallel_loop3A_303 : memref<1x128x128xf32, #tpu.memory_space<vmem>> -> memref<128x128xf32, #tpu.memory_space<vmem>>
        %parallel_loop3A_305 = tpu.vector_load_idx %parallel_loop3A_304[%parallel_loop3A_299, %parallel_loop3A_240] : memref<128x128xf32, #tpu.memory_space<vmem>>[vector<16xi32>, vector<16xi32>], vector<16xf32>,
        %parallel_loop3A_306 = arith.constant 1 : i32
        %parallel_loop3A_307 = arith.index_cast %parallel_loop3A_306 : i32 to index
        %parallel_loop3A_308 = arith.index_cast %parallel_loop3A_239 : i32 to index
        %parallel_loop3A_309 = arith.constant 64 : index
        %parallel_loop3A_310 = tpu.vector_load %arg7[%parallel_loop3A_307, %parallel_loop3A_308, %parallel_loop3A_309] {strides = array<i32>} : memref<2x64x129xf32, #tpu.memory_space<vmem>>, vector<16xf32>,
        tpu.vector_store %arg7[%parallel_loop3A_307, %parallel_loop3A_308, %parallel_loop3A_309], %parallel_loop3A_305 {strides = array<i32>} : memref<2x64x129xf32, #tpu.memory_space<vmem>>, vector<16xf32>,
        %parallel_loop3A_311 = arith.constant 80 : i32
        %parallel_loop3A_312 = vector.broadcast %parallel_loop3A_311 : i32 to vector<16xi32>
        %parallel_loop3A_313 = arith.addi %iota3A, %parallel_loop3A_312 : vector<16xi32>
        %parallel_loop3A_314 = arith.constant 1 : i32
        %parallel_loop3A_315 = arith.constant 0 : i32
        %parallel_loop3A_316 = arith.constant 0 : i32
        %parallel_loop3A_317 = tpu.memref_slice %arg6[%parallel_loop3A_314, %parallel_loop3A_315, %parallel_loop3A_316] : memref<2x128x128xf32, #tpu.memory_space<vmem>> -> memref<1x128x128xf32, #tpu.memory_space<vmem>>
        %parallel_loop3A_318 = tpu.memref_squeeze %parallel_loop3A_317 : memref<1x128x128xf32, #tpu.memory_space<vmem>> -> memref<128x128xf32, #tpu.memory_space<vmem>>
        %parallel_loop3A_319 = tpu.vector_load_idx %parallel_loop3A_318[%parallel_loop3A_313, %parallel_loop3A_240] : memref<128x128xf32, #tpu.memory_space<vmem>>[vector<16xi32>, vector<16xi32>], vector<16xf32>,
        %parallel_loop3A_320 = arith.constant 1 : i32
        %parallel_loop3A_321 = arith.index_cast %parallel_loop3A_320 : i32 to index
        %parallel_loop3A_322 = arith.index_cast %parallel_loop3A_239 : i32 to index
        %parallel_loop3A_323 = arith.constant 80 : index
        %parallel_loop3A_324 = tpu.vector_load %arg7[%parallel_loop3A_321, %parallel_loop3A_322, %parallel_loop3A_323] {strides = array<i32>} : memref<2x64x129xf32, #tpu.memory_space<vmem>>, vector<16xf32>,
        tpu.vector_store %arg7[%parallel_loop3A_321, %parallel_loop3A_322, %parallel_loop3A_323], %parallel_loop3A_319 {strides = array<i32>} : memref<2x64x129xf32, #tpu.memory_space<vmem>>, vector<16xf32>,
        %parallel_loop3A_325 = arith.constant 96 : i32
        %parallel_loop3A_326 = vector.broadcast %parallel_loop3A_325 : i32 to vector<16xi32>
        %parallel_loop3A_327 = arith.addi %iota3A, %parallel_loop3A_326 : vector<16xi32>
        %parallel_loop3A_328 = arith.constant 1 : i32
        %parallel_loop3A_329 = arith.constant 0 : i32
        %parallel_loop3A_330 = arith.constant 0 : i32
        %parallel_loop3A_331 = tpu.memref_slice %arg6[%parallel_loop3A_328, %parallel_loop3A_329, %parallel_loop3A_330] : memref<2x128x128xf32, #tpu.memory_space<vmem>> -> memref<1x128x128xf32, #tpu.memory_space<vmem>>
        %parallel_loop3A_332 = tpu.memref_squeeze %parallel_loop3A_331 : memref<1x128x128xf32, #tpu.memory_space<vmem>> -> memref<128x128xf32, #tpu.memory_space<vmem>>
        %parallel_loop3A_333 = tpu.vector_load_idx %parallel_loop3A_332[%parallel_loop3A_327, %parallel_loop3A_240] : memref<128x128xf32, #tpu.memory_space<vmem>>[vector<16xi32>, vector<16xi32>], vector<16xf32>,
        %parallel_loop3A_334 = arith.constant 1 : i32
        %parallel_loop3A_335 = arith.index_cast %parallel_loop3A_334 : i32 to index
        %parallel_loop3A_336 = arith.index_cast %parallel_loop3A_239 : i32 to index
        %parallel_loop3A_337 = arith.constant 96 : index
        %parallel_loop3A_338 = tpu.vector_load %arg7[%parallel_loop3A_335, %parallel_loop3A_336, %parallel_loop3A_337] {strides = array<i32>} : memref<2x64x129xf32, #tpu.memory_space<vmem>>, vector<16xf32>,
        tpu.vector_store %arg7[%parallel_loop3A_335, %parallel_loop3A_336, %parallel_loop3A_337], %parallel_loop3A_333 {strides = array<i32>} : memref<2x64x129xf32, #tpu.memory_space<vmem>>, vector<16xf32>,
        %parallel_loop3A_339 = arith.constant 112 : i32
        %parallel_loop3A_340 = vector.broadcast %parallel_loop3A_339 : i32 to vector<16xi32>
        %parallel_loop3A_341 = arith.addi %iota3A, %parallel_loop3A_340 : vector<16xi32>
        %parallel_loop3A_342 = arith.constant 1 : i32
        %parallel_loop3A_343 = arith.constant 0 : i32
        %parallel_loop3A_344 = arith.constant 0 : i32
        %parallel_loop3A_345 = tpu.memref_slice %arg6[%parallel_loop3A_342, %parallel_loop3A_343, %parallel_loop3A_344] : memref<2x128x128xf32, #tpu.memory_space<vmem>> -> memref<1x128x128xf32, #tpu.memory_space<vmem>>
        %parallel_loop3A_346 = tpu.memref_squeeze %parallel_loop3A_345 : memref<1x128x128xf32, #tpu.memory_space<vmem>> -> memref<128x128xf32, #tpu.memory_space<vmem>>
        %parallel_loop3A_347 = tpu.vector_load_idx %parallel_loop3A_346[%parallel_loop3A_341, %parallel_loop3A_240] : memref<128x128xf32, #tpu.memory_space<vmem>>[vector<16xi32>, vector<16xi32>], vector<16xf32>,
        %parallel_loop3A_348 = arith.constant 1 : i32
        %parallel_loop3A_349 = arith.index_cast %parallel_loop3A_348 : i32 to index
        %parallel_loop3A_350 = arith.index_cast %parallel_loop3A_239 : i32 to index
        %parallel_loop3A_351 = arith.constant 112 : index
        %parallel_loop3A_352 = tpu.vector_load %arg7[%parallel_loop3A_349, %parallel_loop3A_350, %parallel_loop3A_351] {strides = array<i32>} : memref<2x64x129xf32, #tpu.memory_space<vmem>>, vector<16xf32>,
        tpu.vector_store %arg7[%parallel_loop3A_349, %parallel_loop3A_350, %parallel_loop3A_351], %parallel_loop3A_347 {strides = array<i32>} : memref<2x64x129xf32, #tpu.memory_space<vmem>>, vector<16xf32>,
      } {sc.loop_unroll_factor = 4 : i64, sc.parallel_access}
      %add3A_173 = arith.addi %multiple_of3A, %add3A_149 : i32
      %jit3A_174 = arith.constant 32 : i32
      %div3A_175 = arith.divsi %add3A_173, %jit3A_174 : i32
      %sign3A_176 = arith.constant 0 : i32
      %sign3A_177 = arith.cmpi sgt, %add3A_173, %sign3A_176 : i32
      %sign3A_178 = arith.extui %sign3A_177 : i1 to i32
      %sign3A_179 = arith.constant 0 : i32
      %sign3A_180 = arith.cmpi slt, %add3A_173, %sign3A_179 : i32
      %sign3A_181 = arith.extui %sign3A_180 : i1 to i32
      %sign3A_182 = arith.subi %sign3A_178, %sign3A_181 : i32
      %sign3A_183 = arith.constant 0 : i32
      %sign3A_184 = arith.cmpi sgt, %jit3A_174, %sign3A_183 : i32
      %sign3A_185 = arith.extui %sign3A_184 : i1 to i32
      %sign3A_186 = arith.constant 0 : i32
      %sign3A_187 = arith.cmpi slt, %jit3A_174, %sign3A_186 : i32
      %sign3A_188 = arith.extui %sign3A_187 : i1 to i32
      %sign3A_189 = arith.subi %sign3A_185, %sign3A_188 : i32
      %ne3A_190 = arith.cmpi ne, %sign3A_182, %sign3A_189 : i32
      %rem3A_191 = arith.remsi %add3A_173, %jit3A_174 : i32
      %ne3A_192 = arith.constant 0 : i32
      %ne3A_193 = arith.cmpi ne, %rem3A_191, %ne3A_192 : i32
      %and3A_194 = arith.andi %ne3A_190, %ne3A_193 : i1
      %sub3A_195 = arith.constant 1 : i32
      %sub3A_196 = arith.subi %div3A_175, %sub3A_195 : i32
      %select_n3A_197 = arith.select %and3A_194, %sub3A_196, %div3A_175 : i32
      %jit3A_198 = arith.constant 32 : i32
      %eq3A_199 = arith.constant 0 : i32
      %eq3A_200 = arith.cmpi eq, %jit3A_198, %eq3A_199 : i32
      %jit3A_201 = arith.constant 1 : i32
      %select_n3A_202 = arith.select %eq3A_200, %jit3A_201, %jit3A_198 : i32
      %rem3A_203 = arith.remsi %add3A_173, %select_n3A_202 : i32
      %ne3A_204 = arith.constant 0 : i32
      %ne3A_205 = arith.cmpi ne, %rem3A_203, %ne3A_204 : i32
      %lt3A_206 = arith.constant 0 : i32
      %lt3A_207 = arith.cmpi slt, %rem3A_203, %lt3A_206 : i32
      %lt3A_208 = arith.constant 0 : i32
      %lt3A_209 = arith.cmpi slt, %select_n3A_202, %lt3A_208 : i32
      %ne3A_210 = arith.xori %lt3A_207, %lt3A_209 : i1
      %and3A_211 = arith.andi %ne3A_210, %ne3A_205 : i1
      %add3A_212 = arith.addi %rem3A_203, %select_n3A_202 : i32
      %select_n3A_213 = arith.select %and3A_211, %add3A_212, %rem3A_203 : i32
      %mul3A_214 = arith.constant 128 : i32
      %mul3A_215 = arith.muli %select_n3A_213, %mul3A_214 : i32
      %multiple_of3A_216 = tpu.assume_multiple %mul3A_215, 128 : i32
      %dma_start3A_217 = arith.constant 1 : i32
      %dma_start3A_218 = arith.constant 0 : i32
      %dma_start3A_219 = arith.constant 0 : i32
      %dma_start3A_220 = tpu.memref_slice %arg7[%dma_start3A_217, %dma_start3A_218, %dma_start3A_219] : memref<2x64x129xf32, #tpu.memory_space<vmem>> -> memref<1x64x128xf32, #tpu.memory_space<vmem>>
      %dma_start3A_221 = tpu.memref_squeeze %dma_start3A_220 : memref<1x64x128xf32, #tpu.memory_space<vmem>> -> memref<64x128xf32, #tpu.memory_space<vmem>>
      %dma_start3A_222 = arith.constant 0 : i32
      %dma_start3A_223 = tpu.memref_slice %arg4[%select_n3A_197, %dma_start3A_222, %multiple_of3A_216] : memref<200x64x4096xf32, #tpu.memory_space<hbm>> -> memref<1x64x128xf32, #tpu.memory_space<hbm>>
      %dma_start3A_224 = tpu.memref_squeeze %dma_start3A_223 : memref<1x64x128xf32, #tpu.memory_space<hbm>> -> memref<64x128xf32, #tpu.memory_space<hbm>>
      %dma_start3A_225 = arith.constant 0 : i32
      %dma_start3A_226 = tpu.memref_slice %arg4[%select_n3A_197, %dma_start3A_225, %multiple_of3A_216] : memref<200x64x4096xf32, #tpu.memory_space<hbm>> -> memref<1x64x128xf32, #tpu.memory_space<hbm>>
      %dma_start3A_227 = tpu.memref_squeeze %dma_start3A_226 : memref<1x64x128xf32, #tpu.memory_space<hbm>> -> memref<64x128xf32, #tpu.memory_space<hbm>>
      %dma_start3A_228 = arith.constant 0 : i32
      %dma_start3A_229 = arith.constant 0 : i32
      %dma_start3A_230 = tpu.memref_slice %arg7[%dma_start3A_217, %dma_start3A_228, %dma_start3A_229] : memref<2x64x129xf32, #tpu.memory_space<vmem>> -> memref<1x64x128xf32, #tpu.memory_space<vmem>>
      %dma_start3A_231 = tpu.memref_squeeze %dma_start3A_230 : memref<1x64x128xf32, #tpu.memory_space<vmem>> -> memref<64x128xf32, #tpu.memory_space<vmem>>
      tpu.enqueue_dma source(%dma_start3A_231 : memref<64x128xf32, #tpu.memory_space<vmem>>) target(%dma_start3A_227 : memref<64x128xf32, #tpu.memory_space<hbm>>) target_semaphore(%arg11 : memref<!tpu.dma_semaphore, #tpu.memory_space<semaphore_mem>>)
      %add3A_232 = arith.constant 2 : i32
      %add3A_233 = arith.addi %add3A_149, %add3A_232 : i32
      %lt3A_234 = arith.constant 200 : i32
      %lt3A_235 = arith.cmpi slt, %add3A_233, %lt3A_234 : i32
      %convert_element_type3A_236 = arith.extui %lt3A_235 : i1 to i32
      %cond3A_237 = arith.constant 0 : i32
      %cond3A_238 = arith.cmpi ne, %convert_element_type3A_236, %cond3A_237 : i32
      scf.if %cond3A_238 {
        %add3A_239 = arith.constant 2 : i32
        %add3A_240 = arith.addi %add3A_149, %add3A_239 : i32
        %dma_start3A_241 = arith.constant 1 : i32
        %dma_start3A_242 = arith.constant 0 : i32
        %dma_start3A_243 = arith.constant 0 : i32
        %dma_start3A_244 = tpu.memref_slice %arg6[%dma_start3A_241, %dma_start3A_242, %dma_start3A_243] : memref<2x128x128xf32, #tpu.memory_space<vmem>> -> memref<1x128x128xf32, #tpu.memory_space<vmem>>
        %dma_start3A_245 = tpu.memref_squeeze %dma_start3A_244 : memref<1x128x128xf32, #tpu.memory_space<vmem>> -> memref<128x128xf32, #tpu.memory_space<vmem>>
        %dma_start3A_246 = arith.constant 0 : i32
        %dma_start3A_247 = tpu.memref_slice %arg5[%add3A_240, %dma_start3A_246] : memref<200x128xi32, #tpu.memory_space<vmem>> -> memref<1x128xi32, #tpu.memory_space<vmem>>
        %dma_start3A_248 = tpu.memref_squeeze %dma_start3A_247 : memref<1x128xi32, #tpu.memory_space<vmem>> -> memref<128xi32, #tpu.memory_space<vmem>>
        %dma_start3A_249 = arith.constant 0 : i32
        %dma_start3A_250 = arith.constant 0 : i32
        %dma_start3A_251 = tpu.memref_slice %arg2[%dma_start3A_249, %dma_start3A_250] : memref<1000000x128xf32, #tpu.memory_space<hbm>> -> memref<1000000x128xf32, #tpu.memory_space<hbm>>
        tpu.enqueue_indirect_dma source(%dma_start3A_251 : memref<1000000x128xf32, #tpu.memory_space<hbm>>) target(%dma_start3A_245 : memref<128x128xf32, #tpu.memory_space<vmem>>) offsets(%dma_start3A_248 : memref<128xi32, #tpu.memory_space<vmem>>) semaphore(%arg9 : memref<!tpu.dma_semaphore, #tpu.memory_space<semaphore_mem>>)
      } else {
      }
    }
    %scan3A_30 = arith.constant 100 : i32
    %dma_wait3A = arith.constant 0 : i32
    %dma_wait3A_31 = arith.constant 0 : i32
    %dma_wait3A_32 = arith.constant 0 : i32
    %dma_wait3A_33 = arith.constant 0 : i32
    %dma_wait3A_34 = tpu.memref_slice %arg7[%dma_wait3A, %dma_wait3A_32, %dma_wait3A_33] : memref<2x64x129xf32, #tpu.memory_space<vmem>> -> memref<1x64x128xf32, #tpu.memory_space<vmem>>
    %dma_wait3A_35 = tpu.memref_squeeze %dma_wait3A_34 : memref<1x64x128xf32, #tpu.memory_space<vmem>> -> memref<64x128xf32, #tpu.memory_space<vmem>>
    %dma_wait3A_36 = arith.constant 0 : i32
    %dma_wait3A_37 = arith.constant 0 : i32
    %dma_wait3A_38 = tpu.memref_slice %arg4[%dma_wait3A_31, %dma_wait3A_36, %dma_wait3A_37] : memref<200x64x4096xf32, #tpu.memory_space<hbm>> -> memref<1x64x128xf32, #tpu.memory_space<hbm>>
    %dma_wait3A_39 = tpu.memref_squeeze %dma_wait3A_38 : memref<1x64x128xf32, #tpu.memory_space<hbm>> -> memref<64x128xf32, #tpu.memory_space<hbm>>
    %dma_wait3A_40 = arith.constant 0 : i32
    %dma_wait3A_41 = arith.constant 0 : i32
    %dma_wait3A_42 = tpu.memref_slice %arg4[%dma_wait3A_31, %dma_wait3A_40, %dma_wait3A_41] : memref<200x64x4096xf32, #tpu.memory_space<hbm>> -> memref<1x64x128xf32, #tpu.memory_space<hbm>>
    %dma_wait3A_43 = tpu.memref_squeeze %dma_wait3A_42 : memref<1x64x128xf32, #tpu.memory_space<hbm>> -> memref<64x128xf32, #tpu.memory_space<hbm>>
    %dma_wait3A_44 = arith.constant 0 : i32
    %dma_wait3A_45 = arith.constant 0 : i32
    %dma_wait3A_46 = tpu.memref_slice %arg7[%dma_wait3A, %dma_wait3A_44, %dma_wait3A_45] : memref<2x64x129xf32, #tpu.memory_space<vmem>> -> memref<1x64x128xf32, #tpu.memory_space<vmem>>
    %dma_wait3A_47 = tpu.memref_squeeze %dma_wait3A_46 : memref<1x64x128xf32, #tpu.memory_space<vmem>> -> memref<64x128xf32, #tpu.memory_space<vmem>>
    tpu.wait_dma2 semaphore(%arg10 : memref<!tpu.dma_semaphore, #tpu.memory_space<semaphore_mem>>) src(%dma_wait3A_47 : memref<64x128xf32, #tpu.memory_space<vmem>>) dst(%dma_wait3A_43 : memref<64x128xf32, #tpu.memory_space<hbm>>)
    %dma_wait3A_48 = arith.constant 1 : i32
    %dma_wait3A_49 = arith.constant 0 : i32
    %dma_wait3A_50 = arith.constant 0 : i32
    %dma_wait3A_51 = arith.constant 0 : i32
    %dma_wait3A_52 = tpu.memref_slice %arg7[%dma_wait3A_48, %dma_wait3A_50, %dma_wait3A_51] : memref<2x64x129xf32, #tpu.memory_space<vmem>> -> memref<1x64x128xf32, #tpu.memory_space<vmem>>
    %dma_wait3A_53 = tpu.memref_squeeze %dma_wait3A_52 : memref<1x64x128xf32, #tpu.memory_space<vmem>> -> memref<64x128xf32, #tpu.memory_space<vmem>>
    %dma_wait3A_54 = arith.constant 0 : i32
    %dma_wait3A_55 = arith.constant 0 : i32
    %dma_wait3A_56 = tpu.memref_slice %arg4[%dma_wait3A_49, %dma_wait3A_54, %dma_wait3A_55] : memref<200x64x4096xf32, #tpu.memory_space<hbm>> -> memref<1x64x128xf32, #tpu.memory_space<hbm>>
    %dma_wait3A_57 = tpu.memref_squeeze %dma_wait3A_56 : memref<1x64x128xf32, #tpu.memory_space<hbm>> -> memref<64x128xf32, #tpu.memory_space<hbm>>
    %dma_wait3A_58 = arith.constant 0 : i32
    %dma_wait3A_59 = arith.constant 0 : i32
    %dma_wait3A_60 = tpu.memref_slice %arg4[%dma_wait3A_49, %dma_wait3A_58, %dma_wait3A_59] : memref<200x64x4096xf32, #tpu.memory_space<hbm>> -> memref<1x64x128xf32, #tpu.memory_space<hbm>>
    %dma_wait3A_61 = tpu.memref_squeeze %dma_wait3A_60 : memref<1x64x128xf32, #tpu.memory_space<hbm>> -> memref<64x128xf32, #tpu.memory_space<hbm>>
    %dma_wait3A_62 = arith.constant 0 : i32
    %dma_wait3A_63 = arith.constant 0 : i32
    %dma_wait3A_64 = tpu.memref_slice %arg7[%dma_wait3A_48, %dma_wait3A_62, %dma_wait3A_63] : memref<2x64x129xf32, #tpu.memory_space<vmem>> -> memref<1x64x128xf32, #tpu.memory_space<vmem>>
    %dma_wait3A_65 = tpu.memref_squeeze %dma_wait3A_64 : memref<1x64x128xf32, #tpu.memory_space<vmem>> -> memref<64x128xf32, #tpu.memory_space<vmem>>
    tpu.wait_dma2 semaphore(%arg11 : memref<!tpu.dma_semaphore, #tpu.memory_space<semaphore_mem>>) src(%dma_wait3A_65 : memref<64x128xf32, #tpu.memory_space<vmem>>) dst(%dma_wait3A_61 : memref<64x128xf32, #tpu.memory_space<hbm>>)
    return
  }
}

</mosaic_0001>

<sc_bundles>
// kernel: kernel.3.cloned.1.call-start
scs
__scs_entry_jumppad:
0x0: {  	(pc) =	sbr.rel $0x88, $3  }
0x1: {  	(tag) =	ssettag $0x0;
	lr =	simm.s32 $0x1  }
0x2: {  	[smem:$0x3F9F] =	sst lr;
	_ =	strace $0xD0000000  }
0x3: {  	_ = 	snop  }
0x4: {  	_ = 	snop  }
0x5: {  	_ = 	snop  }
0x6: {  	_ = 	snop  }
0x7: {  	_ = 	snop  }
__scs_overlays_trampoline_lowered:
0x8: {  	[smem:$0x3FAE] =	sst s0  }
0x9: {  	[smem:$0x3FAF] =	sst s1  }
0xa: {  	[smem:$0x3FB0] =	sst s2  }
0xb: {  	[smem:$0x3FB1] =	sst s3  }
0xc: {  	[smem:$0x3FB2] =	sst s4  }
0xd: {  	[smem:$0x3FB3] =	sst s5  }
0xe: {  	[smem:$0x3FB4] =	sst s6  }
0xf: {  	[smem:$0x3FB5] =	sst s7  }
0x10: {  	[smem:$0x3FB6] =	sst s8  }
0x11: {  	[smem:$0x3FB7] =	sst s9;
	s0 =	simm.s32 @!p0 $0x0  }
0x12: {  	s1 =	sld [smem:$0x3F9D];
	s0 =	simm.s32 @p0 $0x1  }
0x13: {  	[smem:$0x3FB8] =	sst s0;
	s0 =	simm.s32 @!p1 $0x0  }
0x14: {  	s2 =	sld [smem:$0x3F9C];
	s0 =	simm.s32 @p1 $0x1  }
0x15: {  	[smem:$0x3FB9] =	sst s0;
	s0 =	simm.s32 @!p2 $0x0  }
0x16: {  	s3 =	sld [smem:$0x3FDB];
	s0 =	simm.s32 @p2 $0x1  }
0x17: {  	s4 =	simm.s32 $0x1BF5;
	[smem:$0x3FBB] =	sst s0  }
0x18: {  	s0 =	sld [smem:$0x3F9E];
	_ =	swait.ge [sflag:s4], $0x0  }
0x19: {  	s7 =	sld [smem:$0x3F9F]  }
0x1a: {  	s8 =	sadd.s32 $0xFFFFE003, lr  }
0x1b: {  	s9 =	sadd.s32 $0xFFFFFEF7, lr;
	s5 =	simm.s32 $0xFFFFFFFF;
	p2 =	slt.u32 s8, $0xFFFFF086  }
0x1c: {  	p1 =	slt.u32 s9, $0xF7A;
	s5 =	simm.s32 @!p2 $0x0  }
0x1d: {  	s5 =	simm.s32 @p1 $0x1;
	p0 =	seq.s32 s7, s2  }
0x1e: {  	s7 =	smul.u32 @!p0 $0xF7A, s2;
	p2 =	seq.s32 @!p0 s5, $0x0  }
0x1f: {  	s9 =	smul.u32 $0xF7A, s1;
	s8 =	simm.s32 @!p0 $0x1BF5;
	p2 =	por !p2, p0  }
0x20: {  	[sflag:s8] =	ssyncset.s32 @!p0 $0xFFFFF086;
	s6 =	sadd.s32 @!p0 s3, s7;
	s7 =	simm.s32 @!p0 $0x108  }
0x21: {  	s3 =	sadd.s32 s3, s9;
	s6 =	sadd.s32 @!p0 $0x88, s6;
	s7 =	simm.s32 @p2 $0x1082  }
0x22: {  	[simem:s7], [sflag:s8] =	dma.local @!p0 [hbm:s6], $0xF7A  }
0x23: {  	s9 =	sor.u32 $0xD0000000, s2;
	s6 =	simm.s32 $0x108;
	_ =	swait.ge @!p0 [sflag:s8], $0x0  }
0x24: {  	s3 =	sadd.s32 $0x88, s3;
	s6 =	simm.s32 @!p1 $0x1082;
	[sflag:s4] =	ssyncset.s32 $0xFFFFF086  }
0x25: {  	[simem:s6], [sflag:s4] =	dma.local [hbm:s3], $0xF7A  }
0x26: {  	[smem:$0x3F9F] =	sst s1;
	(tag) =	ssettag s2;
	_ =	strace s9  }
0x27: {  	s1 =	sld [smem:$0x3FAF]  }
0x28: {  	s2 =	sld [smem:$0x3FB0]  }
0x29: {  	s4 =	sld [smem:$0x3FB2]  }
0x2a: {  	p0 =	seq.s32 s5, $0x0;
	s5 =	sld [smem:$0x3FB3]  }
0x2b: {  	s6 =	sld [smem:$0x3FB4]  }
0x2c: {  	s7 =	sld [smem:$0x3FB5]  }
0x2d: {  	s3 =	simm.s32 $0x108;
	s8 =	sld [smem:$0x3FB6]  }
0x2e: {  	s3 =	simm.s32 @!p0 $0x1082;
	s9 =	sld [smem:$0x3FB7]  }
0x2f: {  	lr =	sadd.s32 s0, s3;
	s0 =	sld [smem:$0x3FAE]  }
0x30: {  	s3 =	sld [smem:$0x3FB1]  }
0x31: {  	[smem:$0x3FBA] =	sst s10  }
0x32: {  	s10 =	sld [smem:$0x3FB8];
	_ =	sdelay $0x3  }
0x33: {  	p0 =	seq.s32 s10, $0x1;
	s10 =	sld [smem:$0x3FBA];
	_ =	sdelay $0x3  }
0x34: {  	[smem:$0x3FBA] =	sst s10  }
0x35: {  	s10 =	sld [smem:$0x3FB9];
	_ =	sdelay $0x3  }
0x36: {  	p1 =	seq.s32 s10, $0x1;
	s10 =	sld [smem:$0x3FBA];
	_ =	sdelay $0x3  }
0x37: {  	[smem:$0x3FBA] =	sst s10  }
0x38: {  	s10 =	sld [smem:$0x3FBB]  }
0x39: {  	_ = 	snop;
	(pc) =	sbr.ind lr, $3  }
0x3a: {  	_ = 	snop  }
0x3b: {  	_ = 	snop  }
0x3c: {  	p2 =	seq.s32 s10, $0x1;
	s10 =	sld [smem:$0x3FBA]  }
0x3d: {  	_ =	shalt  }
0x3e: {  	_ =	shalt  }
0x3f: {  	_ =	shalt  }
0x40: {  	_ =	shalt  }
0x41: {  	_ =	shalt  }
0x42: {  	_ =	shalt  }
0x43: {  	_ =	shalt  }
0x44: {  	_ =	shalt  }
0x45: {  	_ =	shalt  }
0x46: {  	_ =	shalt  }
0x47: {  	_ =	shalt  }
0x48: {  	_ =	shalt  }
0x49: {  	_ =	shalt  }
0x4a: {  	_ =	shalt  }
0x4b: {  	_ =	shalt  }
0x4c: {  	_ =	shalt  }
0x4d: {  	_ =	shalt  }
0x4e: {  	_ =	shalt  }
0x4f: {  	_ =	shalt  }
0x50: {  	_ =	shalt  }
0x51: {  	_ =	shalt  }
0x52: {  	_ =	shalt  }
0x53: {  	_ =	shalt  }
0x54: {  	_ =	shalt  }
0x55: {  	_ =	shalt  }
0x56: {  	_ =	shalt  }
0x57: {  	_ =	shalt  }
0x58: {  	_ =	shalt  }
0x59: {  	_ =	shalt  }
0x5a: {  	_ =	shalt  }
0x5b: {  	_ =	shalt  }
0x5c: {  	_ =	shalt  }
0x5d: {  	_ =	shalt  }
0x5e: {  	_ =	shalt  }
0x5f: {  	_ =	shalt  }
0x60: {  	_ =	shalt  }
0x61: {  	_ =	shalt  }
0x62: {  	_ =	shalt  }
0x63: {  	_ =	shalt  }
0x64: {  	_ =	shalt  }
0x65: {  	_ =	shalt  }
0x66: {  	_ =	shalt  }
0x67: {  	_ =	shalt  }
0x68: {  	_ =	shalt  }
0x69: {  	_ =	shalt  }
0x6a: {  	_ =	shalt  }
0x6b: {  	_ =	shalt  }
0x6c: {  	_ =	shalt  }
0x6d: {  	_ =	shalt  }
0x6e: {  	_ =	shalt  }
0x6f: {  	_ =	shalt  }
0x70: {  	_ =	shalt  }
0x71: {  	_ =	shalt  }
0x72: {  	_ =	shalt  }
0x73: {  	_ =	shalt  }
0x74: {  	_ =	shalt  }
0x75: {  	_ =	shalt  }
0x76: {  	_ =	shalt  }
0x77: {  	_ =	shalt  }
0x78: {  	_ =	shalt  }
0x79: {  	_ =	shalt  }
0x7a: {  	_ =	shalt  }
0x7b: {  	_ =	shalt  }
0x7c: {  	_ =	shalt  }
0x7d: {  	_ =	shalt  }
0x7e: {  	_ =	shalt  }
0x7f: {  	_ =	shalt  }
0x80: {  	_ =	shalt  }
0x81: {  	_ =	shalt  }
0x82: {  	_ =	shalt  }
0x83: {  	_ =	shalt  }
0x84: {  	_ =	shalt  }
0x85: {  	_ =	shalt  }
0x86: {  	_ =	shalt  }
0x87: {  	_ =	shalt  }
.Lfunc_end0:
.L_simem_size_0:
called_computation_lowered:
.L_overlay_start_0:
0x88: {  	s2 =	sld [smem:$0x3FD9]  }
0x89: {  	s3 =	sld [smem:$0x3FFE];
	_ =	sdelay $0x1  }
0x8a: {  	s1 =	srdreg.scid  }
0x8b: {  	s0 =	sand.u32 $0x1, s1  }
0x8c: {  	s17 =	sshll.u32 s0, $0xA;
	s2 =	sadd.s32 s3, s2  }
0x8d: {  	s2 =	sadd.s32 s2, s17  }
0x8e: {  	[smem:$0x3FC6] =	sst s2  }
0x8f: {  	_ = 	snop  }
0x90: {  	s2 =	sld [smem:$0x3FD0];
	(tm) =	ssettm $0x1  }
0x91: {  	s18 =	sld [smem:$0x3FFB];
	_ =	sdelay $0x3  }
0x92: {  	_ =	strace s18  }
0x93: {  	s3 =	sld [smem:$0x3FFC];
	_ =	sdelay $0x3  }
0x94: {  	_ =	strace s3  }
0x95: {  	s3 =	sld [smem:$0x3FFD];
	_ =	sdelay $0x3  }
0x96: {  	_ =	strace s3  }
0x97: {  	_ =	strace $0x8FFFFFFF  }
0x98: {  	s19 =	sld [smem:$0x3FDB];
	_ =	sdelay $0x1  }
0x99: {  	s4 =	simm.s32 $_scs_section_size  }
0x9a: {  	s5 =	simm.s32 $_size__tile_overlayer_lowered;
	s6 =	simm.s32 $_tile_overlayer_lowered  }
0x9b: {  	s22 =	simm.s32 $0x1BFF;
	s21 =	sshll.u32 s6, $0x1;
	s3 =	sadd.s32 s4, s19  }
0x9c: {  	s7 =	simm.s32 $0x0;
	s20 =	sshll.u32 s5, $0x1;
	s5 =	sadd.s32 s21, s3  }
0x9d: {  	[timem:s7], [sflag:s22] =	dma.local [hbm:s5], s20  }
0x9e: {  	_ =	swait.ge [sflag:s22], s20  }
0x9f: {  	s4 =	ssub.s32 $0x0, s20;
	[sflag:s22] =	ssyncset.done $0x0  }
0xa0: {  	[sflag:s22] =	ssyncadd.s32 s4;
	_ =	sdelay $0x1  }
0xa1: {  	s23 =	simm.s32 $0x1B8B  }
0xa2: {  	_ =	swait.ge [sflag:s23], $0x1  }
0xa3: {  	[sflag:s23] =	ssyncset.done $0x0  }
0xa4: {  	s25 =	simm.s32 $0x1B8E;
	s24 =	sld [smem:$0x3FFE];
	[sflag:s23] =	ssyncadd.s32 $0xFFFFFFFF  }
0xa5: {  	s26 =	simm.s32 $execute0_lowered;
	[smem:$0x3FD2] =	sst s25  }
0xa6: {  	s5 =	sshll.u32 s26, $0x1;
	_ =	strace $0x80000046;
	[dreg:$0x1] =	wrdreg $0xFFFFFFFF  }
0xa7: {  	s28 =	simm.s32 $_size_execute0_lowered;
	s3 =	sadd.s32 s3, s5;
	[dreg:$0x0] =	wrdreg $0x0  }
0xa8: {  	s5 =	sshll.u32 s28, $0x1;
	[dreg:$0x2] =	wrdreg s3  }
0xa9: {  	[dreg:$0x3] =	wrdreg s5  }
0xaa: {  	[dreg:$0x4] =	wrdreg $0xC0  }
0xab: {  	_ =	task [dreg:s7], $0x5FFFF  }
0xac: {  	[dreg:$0x1] =	wrdreg $0xFFFFFFFF  }
0xad: {  	[dreg:$0x0] =	wrdreg $0x60  }
0xae: {  	[dreg:$0x2] =	wrdreg s24  }
0xaf: {  	[dreg:$0x3] =	wrdreg s2  }
0xb0: {  	[dreg:$0x4] =	wrdreg $0x9  }
0xb1: {  	_ =	task.clear_ibuf [dreg:s7], $0x5FFFF;
	_ =	strace $0x90000046  }
0xb2: {  	s29 =	simm.s32 $0x9;
	_ =	strace $0x80000048  }
0xb3: {  	_ =	swait.ge [sflag:s29], $0x1  }
0xb4: {  	[sflag:s29] =	ssyncadd.s32 $0xFFFFFFFF  }
0xb5: {  	_ =	strace $0x90000048  }
0xb6: {  	_ =	sfence  }
0xb7: {  	s30 =	sld [smem:$0x0];
	_ =	sdelay $0x2  }
0xb8: {  	s31 =	sshll.u32 s1, $0xD;
	s1 =	sshrl.u32 s1, $0x2  }
0xb9: {  	s3 =	sand.u32 $0x4000, s31;
	s1 =	sadd.s32 s1, s30  }
0xba: {  	s0 =	sor.u32 s3, s0;
	s1 =	sshll.u32 s1, $0x11  }
0xbb: {  	s0 =	sor.u32 s1, s0  }
0xbc: {  	s0 =	sadd.s32 $0x8F2B, s0  }
0xbd: {  	[sflag:s0] =	ssyncadd.remote.s32 $0x1  }
0xbe: {  	_ =	sfence.sel $0xFFFF  }
0xbf: {  	[dreg:$0x0] =	wrdreg $0xFFFFFFFF;
	(pc) =	sbr.abs _section_cstart, $3  }
0xc0: {  	[dreg:$0x1] =	wrdreg $0xFFFFFFFF  }
0xc1: {  	_ =	task.clear_ibuf [dreg:s7], $0x2FFFF;
	_ =	strace $0x9FFFFFFF  }
0xc2: {  	(tm) =	ssettm $0x7FFFFFFF  }
0xc3: {  	_ =	shalt  }
tec
execute0_lowered:
.L_overlay_start_1:
0x0: {  	(tag) =	ssettag $0x1  }
0x1: {  	s0 =	rddreg [dreg:$0x0]  }
0x2: {  	s1 =	srdreg.scid;
	s3 =	stileid.u32  }
0x3: {  	s2 =	rddreg [dreg:$0x1];
	s9 =	simm.s32 $0x80;
	s10 =	simm.s32 $0x6400  }
0x4: {  	s11 =	simm.s32 $0xA400;
	s12 =	simm.s32 $0x1;
	s21 =	simm.s32 $0x2  }
0x5: {  	s25 =	simm.s32 $0x13C00;
	s1 =	sand.u32 $0x1, s1;
	s4 =	sshll.u32 s3, $0x1  }
0x6: {  	s26 =	simm.s32 $0x14400;
	s28 =	simm.s32 $0x14C00;
	s5 =	sor.u32 s1, s4  }
0x7: {  	v0 =	vlaneseq.u32;
	s29 =	simm.s32 $0x15400;
	s1 =	ssub.s32 $0x2, s1;
	s6 =	smul.u32 $0xC80, s5  }
.Ltmp0:
0x8: {  	s3 =	simm.s32 $0x0;
	v0 =	vmul.u32 $0x80, v0;
	s7 =	sshrl.u32 s1, $0x1;
	(pc) =	sbr.rel .LBB2_1-.Ltmp0, $4  }
0x9: {  	[smem:$0x7FF] =	sst s3;
	s4 =	sadd.s32 $0xF5BA00, s0;
	s1 =	ssub.s32 s1, s7  }
0xa: {  	_ =	strace $0x80000047;
	v1 =	vor.u32 $0x800, v0;
	s0 =	sadd.s32 s6, s0;
	s31 =	smax.u32 s1, $0x1  }
0xb: {  	s30 =	simm.s32 $0x15C00;
	v2 =	vor.u32 $0x1000, v0;
	v3 =	vor.u32 $0x1800, v0;
	v4 =	vor.u32 $0x2000, v0;
	s0 =	sadd.s32 $0xF42A00, s0;
	[dreg:$0x4] =	wrdreg s31  }
0xc: {  	s5 =	smul.u32 $0xC8, s5;
	v5 =	vor.u32 $0x2800, v0;
	v6 =	vor.u32 $0x3000, v0;
	v7 =	vor.u32 $0x3800, v0;
	s6 =	simm.s32 $0x0;
	[dreg:$0x3] =	wrdreg s0  }
.LBB2_8:
0xd: {  	s0 =	simm.s32 $0x3  }
0xe: {  	_ =	swait.ge [sflag:s0], $0x2000  }
0xf: {  	[sflag:s0] =	ssyncset.done $0x0  }
0x10: {  	s1 =	simm.s32 $0x4;
	[sflag:s0] =	ssyncadd.s32 $0xFFFFE000  }
0x11: {  	_ =	swait.ge [sflag:s1], $0x2000  }
0x12: {  	s6 =	rddreg [dreg:$0x5]  }
0x13: {  	s31 =	rddreg [dreg:$0x4];
	s6 =	sadd.s32 $0x1, s6  }
0x14: {  	p0 =	sne.s32 s6, s31  }
.Ltmp1:
0x15: {  	_ = 	snop;
	(pc) =	sbr.rel @!p0 .LBB2_9-.Ltmp1, $3  }
0x16: {  	_ =	sdelay $0x1  }
0x17: {  	[sflag:s1] =	ssyncset.done $0x0  }
0x18: {  	[sflag:s1] =	ssyncadd.s32 $0xFFFFE000  }
.LBB2_1:
0x19: {  	[dreg:$0x5] =	wrdreg s6  }
0x1a: {  	s0 =	rddreg [dreg:$0x3];
	s31 =	simm.s32 $0x5  }
0x1b: {  	[tilespmem:s3], [sflag:$0x5] =	stream.linear.gather [hbm4b:s0+s3], $0x6400, $0x38;
	[tilespmem:$0x16400] =	vst v63  }
0x1c: {  	_ =	swait.ge [sflag:s31], $0x6400  }
0x1d: {  	[sflag:s31] =	ssyncset.done $0x0  }
0x1e: {  	[sflag:s31] =	ssyncadd.s32 $0xFFFF9C00  }
0x1f: {  	[tilespmem:s10], [sflag:$0x1] =	stream.indirect.gather [hbm4b:s4+s9], $0x80, s3, s9, $0xb8;
	[tilespmem:$0x16400] =	vst v63  }
0x20: {  	s6 =	simm.s32 $0x0  }
0x21: {  	[tilespmem:s11], [sflag:$0x2] =	stream.indirect.gather [hbm4b:s4+s9], $0x80, s9, s9, $0xb8;
	[tilespmem:$0x16400] =	vst v63  }
.LBB2_2:
0x22: {  	s0 =	simm.s32 $0x3  }
0x23: {  	v8 =	vmov s0  }
0x24: {  	s15 =	simm.s32 $0x1;
	v8 =	vand.u32 $0x7F, v8  }
0x25: {  	v9 =	vmov s15;
	v15 =	vbroadcast v8, $0x0  }
0x26: {  	_ =	swait.ge [sflag:s12], $0x4000;
	s16 =	simm.s32 $0x2;
	v8 =	vand.u32 $0x7D, v9  }
0x27: {  	p0 =	seq.s32 s6, $0x0;
	s1 =	simm.s32 $0x0;
	[sflag:s12] =	ssyncset.done $0x0;
	v17 =	vbroadcast v8, $0x0;
	v8 =	vmov s16;
	v9 =	vor.u32 v0, v15  }
0x28: {  	s0 =	simm.s32 @!p0 $0x3;
	v10 =	vmov s1;
	[sflag:s12] =	ssyncadd.s32 $0xFFFFC000;
	v8 =	vand.u32 $0x7E, v8  }
0x29: {  	v10 =	vand.u32 $0x7C, v10;
	_ =	swait.ge @!p0 [sflag:s0], $0x2000;
	v11 =	vor.u32 v0, v17;
	v14 =	vbroadcast v8, $0x0  }
0x2a: {  	v13 =	vbroadcast v10, $0x0;
	[sflag:s0] =	ssyncset.done @!p0 $0x0  }
0x2b: {  	[sflag:s0] =	ssyncadd.s32 @!p0 $0xFFFFE000;
	v8 =	vor.u32 v0, v14  }
0x2c: {  	v10 =	vor.u32 v0, v13;
	v9 =	vld.idx.msk [tilespmem:v9+s10+$0x0], $0xffff  }
0x2d: {  	v12 =	vor.u32 v1, v15  }
0x2e: {  	s17 =	simm.s32 $0x180;
	s1 =	sand.u32 $0x3800, s1;
	v11 =	vld.idx.msk [tilespmem:v11+s10+$0x0], $0xffff  }
0x2f: {  	s7 =	sadd.s32 $0xE400, s1;
	s0 =	sand.u32 $0x380, s17;
	v16 =	vor.u32 v1, v17  }
0x30: {  	s18 =	simm.s32 $0x80;
	s15 =	sor.u32 s0, s7;
	v8 =	vld.idx.msk [tilespmem:v8+s10+$0x0], $0xffff  }
0x31: {  	s19 =	sand.u32 $0x280, s18;
	v18 =	vor.u32 v1, v14;
	v10 =	vld.idx.msk [tilespmem:v10+s10+$0x0], $0xffff;
	[tilespmem:s15+$0x0] =	vst v9  }
0x32: {  	s8 =	simm.s32 $0x100;
	s1 =	sor.u32 s19, s7;
	v9 =	vor.u32 v1, v13;
	v12 =	vld.idx.msk [tilespmem:v12+s10+$0x0], $0xffff  }
0x33: {  	s20 =	simm.s32 $0x0;
	s8 =	sand.u32 $0x300, s8;
	[tilespmem:s1+$0x0] =	vst v11;
	v11 =	vor.u32 v2, v15  }
0x34: {  	s13 =	sand.u32 $0x200, s20;
	s0 =	sor.u32 s8, s7;
	v16 =	vld.idx.msk [tilespmem:v16+s10+$0x0], $0xffff  }
0x35: {  	s14 =	sor.u32 s13, s7;
	v19 =	vor.u32 v2, v17;
	[tilespmem:s0+$0x0] =	vst v8  }
0x36: {  	[tilespmem:s14+$0x0] =	vst v10;
	v10 =	vld.idx.msk [tilespmem:v18+s10+$0x0], $0xffff  }
0x37: {  	s22 =	simm.s32 $0x4;
	v18 =	vor.u32 v2, v14;
	v9 =	vld.idx.msk [tilespmem:v9+s10+$0x0], $0xffff;
	[tilespmem:s15+$0x10] =	vst v12  }
0x38: {  	v8 =	vmov s22;
	v12 =	vor.u32 v2, v13;
	v11 =	vld.idx.msk [tilespmem:v11+s10+$0x0], $0xffff  }
0x39: {  	v8 =	vand.u32 $0x7C, v8;
	[tilespmem:s1+$0x10] =	vst v16;
	v16 =	vor.u32 v3, v15  }
0x3a: {  	v8 =	vbroadcast v8, $0x0;
	v19 =	vld.idx.msk [tilespmem:v19+s10+$0x0], $0xffff  }
0x3b: {  	s23 =	simm.s32 $0x5;
	[tilespmem:s0+$0x10] =	vst v10;
	v10 =	vor.u32 v3, v17  }
0x3c: {  	v21 =	vmov s23;
	v20 =	vor.u32 v0, v8;
	[tilespmem:s14+$0x10] =	vst v9;
	v18 =	vld.idx.msk [tilespmem:v18+s10+$0x0], $0xffff  }
0x3d: {  	s24 =	simm.s32 $0x7;
	v22 =	vor.u32 v3, v14;
	v9 =	vand.u32 $0x7D, v21;
	v21 =	vld.idx.msk [tilespmem:v12+s10+$0x0], $0xffff;
	[tilespmem:s15+$0x20] =	vst v11  }
0x3e: {  	v9 =	vbroadcast v9, $0x0;
	v12 =	vmov s24;
	v11 =	vor.u32 v3, v13;
	v16 =	vld.idx.msk [tilespmem:v16+s10+$0x0], $0xffff  }
0x3f: {  	v12 =	vand.u32 $0x7F, v12;
	[tilespmem:s1+$0x20] =	vst v19;
	v19 =	vor.u32 v4, v15  }
0x40: {  	v23 =	vor.u32 v0, v9;
	v12 =	vbroadcast v12, $0x0;
	v10 =	vld.idx.msk [tilespmem:v10+s10+$0x0], $0xffff  }
0x41: {  	s8 =	simm.s32 $0x6;
	v20 =	vld.idx.msk [tilespmem:v20+s10+$0x0], $0xffff;
	[tilespmem:s0+$0x20] =	vst v18;
	v18 =	vor.u32 v4, v17  }
0x42: {  	v24 =	vor.u32 v0, v12;
	[tilespmem:s14+$0x20] =	vst v21;
	v21 =	vld.idx.msk [tilespmem:v22+s10+$0x0], $0xffff;
	v22 =	vmov s8  }
0x43: {  	s19 =	simm.s32 $0x8;
	v25 =	vld.idx.msk [tilespmem:v11+s10+$0x0], $0xffff;
	v11 =	vand.u32 $0x7E, v22;
	[tilespmem:s15+$0x30] =	vst v16;
	v16 =	vor.u32 v4, v14  }
0x44: {  	v26 =	vor.u32 v4, v13;
	v22 =	vmov s19;
	v11 =	vbroadcast v11, $0x0;
	v19 =	vld.idx.msk [tilespmem:v19+s10+$0x0], $0xffff  }
0x45: {  	v23 =	vld.idx.msk [tilespmem:v23+s10+$0x0], $0xffff;
	[tilespmem:s1+$0x30] =	vst v10;
	v10 =	vand.u32 $0x7C, v22;
	v22 =	vor.u32 v5, v15  }
0x46: {  	v18 =	vld.idx.msk [tilespmem:v18+s10+$0x0], $0xffff;
	v10 =	vbroadcast v10, $0x0;
	v27 =	vor.u32 v0, v11  }
0x47: {  	[tilespmem:s0+$0x30] =	vst v21;
	v21 =	vld.idx.msk [tilespmem:v24+s10+$0x0], $0xffff;
	v24 =	vor.u32 v5, v17  }
0x48: {  	[tilespmem:s14+$0x30] =	vst v25;
	v25 =	vor.u32 v0, v10;
	v28 =	vld.idx.msk [tilespmem:v16+s10+$0x0], $0xffff  }
0x49: {  	s17 =	simm.s32 $0x400;
	v29 =	vor.u32 v1, v12;
	v26 =	vld.idx.msk [tilespmem:v26+s10+$0x0], $0xffff;
	[tilespmem:s15+$0x40] =	vst v19  }
0x4a: {  	s18 =	simm.s32 $0x380;
	s13 =	sand.u32 $0x3800, s17;
	v30 =	vor.u32 v1, v9;
	v22 =	vld.idx.msk [tilespmem:v22+s10+$0x0], $0xffff  }
0x4b: {  	s20 =	simm.s32 $0x280;
	s16 =	sand.u32 $0x380, s18;
	s7 =	sadd.s32 $0xE400, s13;
	v19 =	vor.u32 v5, v14;
	v27 =	vld.idx.msk [tilespmem:v27+s10+$0x0], $0xffff;
	[tilespmem:s1+$0x40] =	vst v18  }
0x4c: {  	s16 =	sor.u32 s16, s7;
	s22 =	sand.u32 $0x280, s20;
	v18 =	vld.idx.msk [tilespmem:v24+s10+$0x0], $0xffff;
	v24 =	vor.u32 v6, v15  }
0x4d: {  	s13 =	sor.u32 s22, s7;
	[tilespmem:s16+$0x0] =	vst v21;
	v21 =	vor.u32 v1, v8;
	v16 =	vld.idx.msk [tilespmem:v25+s10+$0x0], $0xffff  }
0x4e: {  	s23 =	simm.s32 $0x200;
	[tilespmem:s13+$0x0] =	vst v23;
	v25 =	vor.u32 v1, v11;
	v29 =	vld.idx.msk [tilespmem:v29+s10+$0x0], $0xffff  }
0x4f: {  	s20 =	simm.s32 $0x300;
	s8 =	sand.u32 $0x200, s23;
	v23 =	vor.u32 v5, v13;
	[tilespmem:s0+$0x40] =	vst v28;
	v28 =	vld.idx.msk [tilespmem:v30+s10+$0x0], $0xffff  }
0x50: {  	s20 =	sand.u32 $0x300, s20;
	s8 =	sor.u32 s8, s7;
	v30 =	vor.u32 v2, v12;
	v19 =	vld.idx.msk [tilespmem:v19+s10+$0x0], $0xffff;
	[tilespmem:s15+$0x50] =	vst v22  }
0x51: {  	s31 =	sor.u32 s20, s7;
	[tilespmem:s8+$0x0] =	vst v20;
	v20 =	vor.u32 v2, v9;
	v24 =	vld.idx.msk [tilespmem:v24+s10+$0x0], $0xffff  }
0x52: {  	[tilespmem:s31+$0x0] =	vst v27;
	v22 =	vor.u32 v6, v17;
	v21 =	vld.idx.msk [tilespmem:v21+s10+$0x0], $0xffff  }
0x53: {  	v15 =	vor.u32 v7, v15;
	[tilespmem:s14+$0x40] =	vst v26;
	v25 =	vld.idx.msk [tilespmem:v25+s10+$0x0], $0xffff  }
0x54: {  	[tilespmem:s16+$0x10] =	vst v29;
	v29 =	vld.idx.msk [tilespmem:v23+s10+$0x0], $0xffff  }
0x55: {  	v23 =	vor.u32 v2, v8;
	v30 =	vld.idx.msk [tilespmem:v30+s10+$0x0], $0xffff;
	[tilespmem:s13+$0x10] =	vst v28  }
0x56: {  	s24 =	simm.s32 $0x9;
	v27 =	vor.u32 v2, v11;
	[tilespmem:s1+$0x50] =	vst v18;
	v20 =	vld.idx.msk [tilespmem:v20+s10+$0x0], $0xffff  }
0x57: {  	v32 =	vor.u32 v6, v13;
	v18 =	vld.idx.msk [tilespmem:v22+s10+$0x0], $0xffff;
	[tilespmem:s15+$0x60] =	vst v24;
	v24 =	vmov s24  }
0x58: {  	[tilespmem:s0+$0x50] =	vst v19;
	v22 =	vor.u32 v6, v14;
	v26 =	vld.idx.msk [tilespmem:v15+s10+$0x0], $0xffff;
	v15 =	vand.u32 $0x7D, v24  }
0x59: {  	v31 =	vor.u32 v3, v12;
	[tilespmem:s8+$0x10] =	vst v21;
	v15 =	vbroadcast v15, $0x0  }
0x5a: {  	v28 =	vor.u32 v3, v9;
	[tilespmem:s31+$0x10] =	vst v25;
	v23 =	vld.idx.msk [tilespmem:v23+s10+$0x0], $0xffff  }
0x5b: {  	[tilespmem:s14+$0x50] =	vst v29;
	v24 =	vld.idx.msk [tilespmem:v27+s10+$0x0], $0xffff;
	v21 =	vor.u32 v0, v15  }
0x5c: {  	v25 =	vor.u32 v3, v11;
	[tilespmem:s13+$0x20] =	vst v20;
	v20 =	vld.idx.msk [tilespmem:v32+s10+$0x0], $0xffff  }
0x5d: {  	[tilespmem:s16+$0x20] =	vst v30;
	v27 =	vor.u32 v3, v8;
	v19 =	vld.idx.msk [tilespmem:v22+s10+$0x0], $0xffff  }
0x5e: {  	s22 =	simm.s32 $0xB;
	s20 =	simm.s32 $0xC;
	s7 =	sshll.u32 s6, $0x1;
	v17 =	vor.u32 v7, v17;
	v22 =	vld.idx.msk [tilespmem:v31+s10+$0x0], $0xffff  }
.LBB2_3:
0x5f: {  	p1 =	slt.u32 s20, $0x3C;
	v29 =	vmov s22;
	v28 =	vld.idx.msk [tilespmem:v28+s10+$0x0], $0xffff;
	v30 =	vor.u32 v4, v12;
	[tilespmem:s15+$0x70] =	vst v26;
	s15 =	smov.u32 s16  }
0x60: {  	v21 =	vld.idx.msk [tilespmem:v21+s10+$0x0], $0xffff;
	v26 =	vand.u32 $0x7F, v29;
	[tilespmem:s31+$0x20] =	vst v24;
	v24 =	vor.u32 v7, v14;
	v14 =	vmov v11  }
0x61: {  	v26 =	vbroadcast v26, $0x0;
	[tilespmem:s8+$0x20] =	vst v23;
	v23 =	vor.u32 v4, v9;
	v25 =	vld.idx.msk [tilespmem:v25+s10+$0x0], $0xffff  }
0x62: {  	s16 =	sadd.s32 $0x2, s19;
	s19 =	smov.u32 s20;
	v29 =	vor.u32 v7, v13;
	v13 =	vmov v8;
	v8 =	vmov v10;
	v27 =	vld.idx.msk [tilespmem:v27+s10+$0x0], $0xffff;
	[tilespmem:s1+$0x60] =	vst v18  }
0x63: {  	v10 =	vmov s16;
	v18 =	vor.u32 v0, v26;
	[tilespmem:s15+$0x30] =	vst v22;
	v17 =	vld.idx.msk [tilespmem:v17+s10+$0x0], $0xffff  }
0x64: {  	v10 =	vand.u32 $0x7E, v10;
	v22 =	vor.u32 v4, v14;
	v30 =	vld.idx.msk [tilespmem:v30+s10+$0x0], $0xffff;
	[tilespmem:s0+$0x60] =	vst v19  }
0x65: {  	v31 =	vor.u32 v4, v13;
	v11 =	vbroadcast v10, $0x0;
	v19 =	vmov s20;
	[tilespmem:s13+$0x30] =	vst v28;
	v24 =	vld.idx.msk [tilespmem:v24+s10+$0x0], $0xffff  }
0x66: {  	v10 =	vand.u32 $0x7C, v19;
	v19 =	vld.idx.msk [tilespmem:v23+s10+$0x0], $0xffff;
	v23 =	vor.u32 v5, v12;
	[tilespmem:s14+$0x60] =	vst v20  }
0x67: {  	v10 =	vbroadcast v10, $0x0;
	v20 =	vor.u32 v0, v11;
	[tilespmem:s31+$0x30] =	vst v25;
	v25 =	vld.idx.msk [tilespmem:v29+s10+$0x0], $0xffff  }
0x68: {  	v18 =	vld.idx.msk [tilespmem:v18+s10+$0x0], $0xffff;
	[tilespmem:s8+$0x30] =	vst v27;
	v27 =	vor.u32 v5, v9  }
0x69: {  	v28 =	vor.u32 v0, v10;
	v22 =	vld.idx.msk [tilespmem:v22+s10+$0x0], $0xffff;
	[tilespmem:s1+$0x70] =	vst v17;
	s1 =	smov.u32 s13  }
0x6a: {  	s17 =	sadd.s32 $0x400, s17;
	v17 =	vor.u32 v1, v26;
	v29 =	vld.idx.msk [tilespmem:v31+s10+$0x0], $0xffff;
	[tilespmem:s15+$0x40] =	vst v30  }
0x6b: {  	s18 =	sadd.s32 $0x200, s18;
	s13 =	sand.u32 $0x3800, s17;
	v30 =	vor.u32 v5, v14;
	v23 =	vld.idx.msk [tilespmem:v23+s10+$0x0], $0xffff;
	[tilespmem:s0+$0x70] =	vst v24;
	s0 =	smov.u32 s31  }
0x6c: {  	s22 =	sadd.s32 $0xFFFFFE80, s18;
	s31 =	sadd.s32 $0xE400, s13;
	v24 =	vor.u32 v1, v15;
	s13 =	sand.u32 $0x380, s18;
	v20 =	vld.idx.msk [tilespmem:v20+s10+$0x0], $0xffff;
	[tilespmem:s1+$0x40] =	vst v19  }
0x6d: {  	s23 =	sadd.s32 $0xFFFFFF00, s18;
	s24 =	sadd.s32 $0xFFFFFF80, s18;
	s16 =	sor.u32 s13, s31;
	v19 =	vld.idx.msk [tilespmem:v27+s10+$0x0], $0xffff;
	v27 =	vor.u32 v6, v12;
	[tilespmem:s14+$0x70] =	vst v25  }
0x6e: {  	s13 =	sand.u32 $0x200, s22;
	s22 =	sand.u32 $0x300, s24;
	s14 =	sand.u32 $0x280, s23;
	v25 =	vld.idx.msk [tilespmem:v28+s10+$0x0], $0xffff;
	v28 =	vor.u32 v1, v11;
	[tilespmem:s16+$0x0] =	vst v18  }
0x6f: {  	s23 =	sor.u32 s13, s31;
	v18 =	vor.u32 v1, v8;
	s13 =	sor.u32 s14, s31;
	s31 =	sor.u32 s22, s31;
	v17 =	vld.idx.msk [tilespmem:v17+s10+$0x0], $0xffff;
	[tilespmem:s0+$0x40] =	vst v22  }
0x70: {  	s14 =	smov.u32 s8;
	s8 =	smov.u32 s23;
	[tilespmem:s13+$0x0] =	vst v21;
	v21 =	vor.u32 v5, v13;
	v22 =	vld.idx.msk [tilespmem:v30+s10+$0x0], $0xffff  }
0x71: {  	v30 =	vor.u32 v2, v26;
	v24 =	vld.idx.msk [tilespmem:v24+s10+$0x0], $0xffff;
	[tilespmem:s15+$0x50] =	vst v23  }
0x72: {  	[tilespmem:s31+$0x0] =	vst v20;
	v20 =	vor.u32 v6, v9;
	v23 =	vld.idx.msk [tilespmem:v27+s10+$0x0], $0xffff  }
0x73: {  	v27 =	vor.u32 v2, v15;
	[tilespmem:s8+$0x0] =	vst v16;
	v28 =	vld.idx.msk [tilespmem:v28+s10+$0x0], $0xffff  }
0x74: {  	v16 =	vmov v25;
	v31 =	vld.idx.msk [tilespmem:v18+s10+$0x0], $0xffff;
	[tilespmem:s14+$0x40] =	vst v29;
	v29 =	vor.u32 v7, v12;
	v12 =	vmov v26  }
0x75: {  	v25 =	vor.u32 v2, v11;
	[tilespmem:s16+$0x10] =	vst v17;
	v17 =	vld.idx.msk [tilespmem:v21+s10+$0x0], $0xffff  }
0x76: {  	v32 =	vor.u32 v2, v8;
	s22 =	sadd.s32 $0x1, s20;
	v30 =	vld.idx.msk [tilespmem:v30+s10+$0x0], $0xffff;
	[tilespmem:s1+$0x50] =	vst v19  }
0x77: {  	v19 =	vmov s22;
	[tilespmem:s13+$0x10] =	vst v24;
	v18 =	vld.idx.msk [tilespmem:v20+s10+$0x0], $0xffff;
	v20 =	vor.u32 v6, v14  }
0x78: {  	v34 =	vor.u32 v3, v12;
	v19 =	vand.u32 $0x7D, v19;
	v33 =	vld.idx.msk [tilespmem:v27+s10+$0x0], $0xffff;
	[tilespmem:s15+$0x60] =	vst v23  }
0x79: {  	v36 =	vor.u32 v6, v13;
	v35 =	vbroadcast v19, $0x0;
	[tilespmem:s31+$0x10] =	vst v28;
	v26 =	vld.idx.msk [tilespmem:v29+s10+$0x0], $0xffff  }
.Ltmp2:
0x7a: {  	v28 =	vor.u32 v3, v15;
	[tilespmem:s8+$0x10] =	vst v31;
	v24 =	vld.idx.msk [tilespmem:v25+s10+$0x0], $0xffff;
	(pc) =	sbr.rel @p1 .LBB2_3-.Ltmp2, $4  }
0x7b: {  	v21 =	vor.u32 v0, v35;
	v23 =	vld.idx.msk [tilespmem:v32+s10+$0x0], $0xffff;
	[tilespmem:s0+$0x50] =	vst v22  }
0x7c: {  	v25 =	vor.u32 v3, v11;
	[tilespmem:s16+$0x20] =	vst v30;
	v19 =	vld.idx.msk [tilespmem:v20+s10+$0x0], $0xffff  }
0x7d: {  	v27 =	vor.u32 v3, v8;
	v22 =	vld.idx.msk [tilespmem:v34+s10+$0x0], $0xffff;
	[tilespmem:s14+$0x50] =	vst v17  }
0x7e: {  	s20 =	sadd.s32 $0x4, s20;
	s22 =	sadd.s32 $0x3, s19;
	v17 =	vor.u32 v7, v9;
	v9 =	vmov v15;
	v15 =	vmov v35;
	[tilespmem:s13+$0x20] =	vst v33;
	v20 =	vld.idx.msk [tilespmem:v36+s10+$0x0], $0xffff  }
0x7f: {  	_ =	sdelay $0x2  }
0x80: {  	[tilespmem:s15+$0x70] =	vst v26  }
0x81: {  	v26 =	vmov s22;
	v28 =	vld.idx.msk [tilespmem:v28+s10+$0x0], $0xffff;
	v29 =	vor.u32 v4, v12;
	[tilespmem:s1+$0x60] =	vst v18  }
0x82: {  	[tilespmem:s31+$0x20] =	vst v24;
	s22 =	sadd.s32 $0x2, s19;
	v24 =	vand.u32 $0x7F, v26;
	v26 =	vor.u32 v7, v14;
	v17 =	vld.idx.msk [tilespmem:v17+s10+$0x0], $0xffff  }
0x83: {  	[tilespmem:s8+$0x20] =	vst v23;
	v23 =	vor.u32 v4, v9;
	v18 =	vmov s22;
	v14 =	vbroadcast v24, $0x0;
	v24 =	vld.idx.msk [tilespmem:v25+s10+$0x0], $0xffff  }
0x84: {  	v25 =	vld.idx.msk [tilespmem:v27+s10+$0x0], $0xffff;
	v27 =	vor.u32 v7, v13;
	v13 =	vand.u32 $0x7E, v18;
	[tilespmem:s0+$0x60] =	vst v19  }
0x85: {  	[tilespmem:s16+$0x30] =	vst v22;
	v13 =	vbroadcast v13, $0x0;
	v18 =	vor.u32 v0, v14  }
0x86: {  	[tilespmem:s14+$0x60] =	vst v20;
	v19 =	vld.idx.msk [tilespmem:v29+s10+$0x0], $0xffff  }
0x87: {  	[tilespmem:s13+$0x30] =	vst v28;
	v20 =	vor.u32 v0, v13;
	v22 =	vld.idx.msk [tilespmem:v26+s10+$0x0], $0xffff  }
0x88: {  	v23 =	vld.idx.msk [tilespmem:v23+s10+$0x0], $0xffff;
	[tilespmem:s1+$0x70] =	vst v17  }
0x89: {  	[tilespmem:s31+$0x30] =	vst v24;
	v24 =	vor.u32 v4, v11;
	v26 =	vld.idx.msk [tilespmem:v27+s10+$0x0], $0xffff  }
0x8a: {  	[tilespmem:s8+$0x30] =	vst v25;
	v25 =	vor.u32 v5, v12;
	v18 =	vld.idx.msk [tilespmem:v18+s10+$0x0], $0xffff  }
0x8b: {  	s23 =	sadd.s32 $0x400, s17;
	v17 =	vld.idx.msk [tilespmem:v21+s10+$0x0], $0xffff;
	v21 =	vor.u32 v1, v14;
	[tilespmem:s16+$0x40] =	vst v19  }
0x8c: {  	s24 =	sadd.s32 $0x200, s18;
	s1 =	sand.u32 $0x3800, s23;
	v19 =	vor.u32 v1, v15;
	v20 =	vld.idx.msk [tilespmem:v20+s10+$0x0], $0xffff;
	[tilespmem:s0+$0x70] =	vst v22  }
0x8d: {  	s17 =	sand.u32 $0x380, s24;
	s19 =	sadd.s32 $0xFFFFFF00, s24;
	s1 =	sadd.s32 $0xE400, s1;
	[tilespmem:s13+$0x40] =	vst v23;
	v22 =	vor.u32 v1, v13  }
0x8e: {  	s18 =	sadd.s32 $0xFFFFFF80, s24;
	s20 =	sand.u32 $0x280, s19;
	s0 =	sor.u32 s17, s1;
	v23 =	vld.idx.msk [tilespmem:v24+s10+$0x0], $0xffff;
	[tilespmem:s14+$0x70] =	vst v26;
	v24 =	vor.u32 v1, v10  }
0x8f: {  	s15 =	sadd.s32 $0xFFFFFE80, s24;
	s22 =	sand.u32 $0x300, s18;
	v26 =	vor.u32 v4, v8;
	v25 =	vld.idx.msk [tilespmem:v25+s10+$0x0], $0xffff;
	s14 =	sor.u32 s20, s1;
	[tilespmem:s0+$0x0] =	vst v18  }
0x90: {  	s23 =	sand.u32 $0x200, s15;
	s24 =	sor.u32 s22, s1;
	[tilespmem:s14+$0x0] =	vst v17;
	v18 =	vor.u32 v5, v9;
	v21 =	vld.idx.msk [tilespmem:v21+s10+$0x0], $0xffff  }
0x91: {  	s1 =	sor.u32 s23, s1;
	v17 =	vld.idx.msk [tilespmem:v19+s10+$0x0], $0xffff;
	v19 =	vor.u32 v2, v14;
	[tilespmem:s24+$0x0] =	vst v20  }
0x92: {  	[tilespmem:s1+$0x0] =	vst v16;
	v16 =	vor.u32 v2, v15;
	v20 =	vld.idx.msk [tilespmem:v22+s10+$0x0], $0xffff  }
0x93: {  	[tilespmem:s31+$0x40] =	vst v23;
	v22 =	vld.idx.msk [tilespmem:v24+s10+$0x0], $0xffff;
	v23 =	vor.u32 v2, v13  }
0x94: {  	v24 =	vld.idx.msk [tilespmem:v26+s10+$0x0], $0xffff;
	[tilespmem:s16+$0x50] =	vst v25;
	v25 =	vor.u32 v2, v10  }
0x95: {  	v26 =	vor.u32 v6, v12;
	v18 =	vld.idx.msk [tilespmem:v18+s10+$0x0], $0xffff;
	[tilespmem:s0+$0x10] =	vst v21  }
0x96: {  	v21 =	vor.u32 v5, v11;
	[tilespmem:s14+$0x10] =	vst v17;
	v19 =	vld.idx.msk [tilespmem:v19+s10+$0x0], $0xffff  }
0x97: {  	v17 =	vor.u32 v3, v14;
	v16 =	vld.idx.msk [tilespmem:v16+s10+$0x0], $0xffff;
	[tilespmem:s24+$0x10] =	vst v20  }
0x98: {  	v20 =	vor.u32 v3, v15;
	[tilespmem:s1+$0x10] =	vst v22;
	v22 =	vld.idx.msk [tilespmem:v23+s10+$0x0], $0xffff  }
0x99: {  	[tilespmem:s8+$0x40] =	vst v24;
	v24 =	vor.u32 v3, v13;
	v23 =	vld.idx.msk [tilespmem:v25+s10+$0x0], $0xffff  }
0x9a: {  	v25 =	vld.idx.msk [tilespmem:v26+s10+$0x0], $0xffff;
	[tilespmem:s13+$0x50] =	vst v18;
	v18 =	vor.u32 v3, v10  }
0x9b: {  	v26 =	vor.u32 v5, v8;
	v21 =	vld.idx.msk [tilespmem:v21+s10+$0x0], $0xffff;
	[tilespmem:s0+$0x20] =	vst v19  }
0x9c: {  	v12 =	vor.u32 v7, v12;
	[tilespmem:s14+$0x20] =	vst v16;
	v17 =	vld.idx.msk [tilespmem:v17+s10+$0x0], $0xffff  }
0x9d: {  	v19 =	vor.u32 v4, v14;
	v16 =	vld.idx.msk [tilespmem:v20+s10+$0x0], $0xffff;
	[tilespmem:s24+$0x20] =	vst v22  }
0x9e: {  	v20 =	vor.u32 v4, v15;
	[tilespmem:s1+$0x20] =	vst v23;
	v22 =	vld.idx.msk [tilespmem:v24+s10+$0x0], $0xffff  }
0x9f: {  	[tilespmem:s16+$0x60] =	vst v25;
	v23 =	vor.u32 v4, v13;
	v18 =	vld.idx.msk [tilespmem:v18+s10+$0x0], $0xffff  }
0xa0: {  	v24 =	vld.idx.msk [tilespmem:v26+s10+$0x0], $0xffff;
	[tilespmem:s31+$0x50] =	vst v21;
	v21 =	vor.u32 v4, v10  }
0xa1: {  	v25 =	vor.u32 v6, v9;
	v12 =	vld.idx.msk [tilespmem:v12+s10+$0x0], $0xffff;
	[tilespmem:s0+$0x30] =	vst v17  }
0xa2: {  	v17 =	vor.u32 v6, v11;
	[tilespmem:s14+$0x30] =	vst v16;
	v19 =	vld.idx.msk [tilespmem:v19+s10+$0x0], $0xffff  }
0xa3: {  	v16 =	vld.idx.msk [tilespmem:v20+s10+$0x0], $0xffff;
	v20 =	vor.u32 v5, v14;
	[tilespmem:s24+$0x30] =	vst v22  }
0xa4: {  	[tilespmem:s1+$0x30] =	vst v18;
	v18 =	vor.u32 v5, v15;
	v22 =	vld.idx.msk [tilespmem:v23+s10+$0x0], $0xffff  }
0xa5: {  	[tilespmem:s8+$0x50] =	vst v24;
	v23 =	vor.u32 v5, v13;
	v21 =	vld.idx.msk [tilespmem:v21+s10+$0x0], $0xffff  }
0xa6: {  	v24 =	vld.idx.msk [tilespmem:v25+s10+$0x0], $0xffff;
	[tilespmem:s16+$0x70] =	vst v12;
	v12 =	vor.u32 v5, v10  }
0xa7: {  	v9 =	vor.u32 v7, v9;
	v17 =	vld.idx.msk [tilespmem:v17+s10+$0x0], $0xffff;
	[tilespmem:s0+$0x40] =	vst v19  }
0xa8: {  	v25 =	vor.u32 v6, v8;
	[tilespmem:s14+$0x40] =	vst v16;
	v19 =	vld.idx.msk [tilespmem:v20+s10+$0x0], $0xffff  }
0xa9: {  	v16 =	vld.idx.msk [tilespmem:v18+s10+$0x0], $0xffff;
	v18 =	vor.u32 v6, v14;
	[tilespmem:s24+$0x40] =	vst v22  }
0xaa: {  	v22 =	vor.u32 v6, v15;
	v20 =	vld.idx.msk [tilespmem:v23+s10+$0x0], $0xffff;
	[tilespmem:s1+$0x40] =	vst v21  }
0xab: {  	[tilespmem:s13+$0x60] =	vst v24;
	v21 =	vor.u32 v6, v13;
	v12 =	vld.idx.msk [tilespmem:v12+s10+$0x0], $0xffff  }
0xac: {  	v9 =	vld.idx.msk [tilespmem:v9+s10+$0x0], $0xffff;
	[tilespmem:s31+$0x60] =	vst v17;
	v17 =	vor.u32 v6, v10  }
0xad: {  	v11 =	vor.u32 v7, v11;
	v23 =	vld.idx.msk [tilespmem:v25+s10+$0x0], $0xffff;
	[tilespmem:s0+$0x50] =	vst v19  }
0xae: {  	v8 =	vor.u32 v7, v8;
	[tilespmem:s14+$0x50] =	vst v16;
	v18 =	vld.idx.msk [tilespmem:v18+s10+$0x0], $0xffff  }
0xaf: {  	v14 =	vor.u32 v7, v14;
	v16 =	vld.idx.msk [tilespmem:v22+s10+$0x0], $0xffff;
	[tilespmem:s24+$0x50] =	vst v20  }
0xb0: {  	v19 =	vld.idx.msk [tilespmem:v21+s10+$0x0], $0xffff;
	[tilespmem:s1+$0x50] =	vst v12;
	v12 =	vor.u32 v7, v15  }
0xb1: {  	v13 =	vor.u32 v7, v13;
	[tilespmem:s13+$0x70] =	vst v9;
	v15 =	vld.idx.msk [tilespmem:v17+s10+$0x0], $0xffff  }
0xb2: {  	v11 =	vld.idx.msk [tilespmem:v11+s10+$0x0], $0xffff;
	v9 =	vor.u32 v7, v10;
	[tilespmem:s8+$0x60] =	vst v23  }
0xb3: {  	v8 =	vld.idx.msk [tilespmem:v8+s10+$0x0], $0xffff;
	[tilespmem:s0+$0x60] =	vst v18  }
0xb4: {  	[tilespmem:s14+$0x60] =	vst v16;
	v10 =	vld.idx.msk [tilespmem:v14+s10+$0x0], $0xffff  }
0xb5: {  	v12 =	vld.idx.msk [tilespmem:v12+s10+$0x0], $0xffff;
	[tilespmem:s24+$0x60] =	vst v19  }
0xb6: {  	v13 =	vld.idx.msk [tilespmem:v13+s10+$0x0], $0xffff;
	[tilespmem:s1+$0x60] =	vst v15  }
0xb7: {  	[tilespmem:s31+$0x70] =	vst v11;
	v9 =	vld.idx.msk [tilespmem:v9+s10+$0x0], $0xffff  }
0xb8: {  	s17 =	sadd.s32 s5, s7;
	[tilespmem:s8+$0x70] =	vst v8  }
0xb9: {  	s18 =	sshll.u32 s17, $0x7;
	[tilespmem:s0+$0x70] =	vst v10  }
0xba: {  	s8 =	sshll.u32 s17, $0xA;
	[tilespmem:s14+$0x70] =	vst v12;
	s0 =	sand.u32 $0xF00, s18  }
0xbb: {  	s8 =	sand.u32 $0xFFF8000, s8;
	[tilespmem:s24+$0x70] =	vst v13;
	s0 =	sadd.s32 s2, s0  }
0xbc: {  	s19 =	simm.s32 $0xE400;
	[tilespmem:s1+$0x70] =	vst v9;
	s0 =	sadd.s32 s8, s0  }
0xbd: {  	[hbm4b:s0+s3] =	stream.linear.scatter [tilespmem:s19], [sflag:$0x3], $0x400, $0x38;
	[tilespmem:$0x16400] =	vst v63  }
0xbe: {  	s22 =	simm.s32 $0xEC00;
	s20 =	sadd.s32 $0x1000, s0  }
0xbf: {  	[hbm4b:s20+s3] =	stream.linear.scatter [tilespmem:s22], [sflag:$0x3], $0x400, $0x38;
	[tilespmem:$0x16400] =	vst v63  }
0xc0: {  	s24 =	simm.s32 $0xF400;
	s23 =	sadd.s32 $0x2000, s0  }
0xc1: {  	[hbm4b:s23+s3] =	stream.linear.scatter [tilespmem:s24], [sflag:$0x3], $0x400, $0x38;
	[tilespmem:$0x16400] =	vst v63  }
0xc2: {  	s14 =	simm.s32 $0xFC00;
	s13 =	sadd.s32 $0x3000, s0  }
0xc3: {  	[hbm4b:s13+s3] =	stream.linear.scatter [tilespmem:s14], [sflag:$0x3], $0x400, $0x38;
	[tilespmem:$0x16400] =	vst v63  }
0xc4: {  	s16 =	simm.s32 $0x10400;
	s15 =	sadd.s32 $0x4000, s0  }
0xc5: {  	[hbm4b:s15+s3] =	stream.linear.scatter [tilespmem:s16], [sflag:$0x3], $0x400, $0x38;
	[tilespmem:$0x16400] =	vst v63  }
0xc6: {  	s18 =	simm.s32 $0x10C00;
	s17 =	sadd.s32 $0x5000, s0  }
0xc7: {  	[hbm4b:s17+s3] =	stream.linear.scatter [tilespmem:s18], [sflag:$0x3], $0x400, $0x38;
	[tilespmem:$0x16400] =	vst v63  }
0xc8: {  	s19 =	sadd.s32 $0x6000, s0;
	s20 =	simm.s32 $0x11400  }
0xc9: {  	[hbm4b:s19+s3] =	stream.linear.scatter [tilespmem:s20], [sflag:$0x3], $0x400, $0x38;
	[tilespmem:$0x16400] =	vst v63  }
0xca: {  	p1 =	seq.s32 s6, $0x63;
	s0 =	sadd.s32 $0x7000, s0;
	s22 =	simm.s32 $0x11C00  }
0xcb: {  	[hbm4b:s0+s3] =	stream.linear.scatter [tilespmem:s22], [sflag:$0x3], $0x400, $0x38;
	[tilespmem:$0x16400] =	vst v63  }
0xcc: {  	s23 =	simm.s32 $0x3;
	s0 =	sshll.u32 @!p1 s6, $0x8  }
0xcd: {  	s1 =	simm.s32 @!p1 $0x80;
	v8 =	vmov s23;
	s0 =	sand.u32 @!p1 $0x3FFFFF00, s0  }
0xce: {  	s8 =	simm.s32 @!p1 $0x6400;
	s24 =	simm.s32 $0x1;
	v8 =	vand.u32 $0x7F, v8;
	s0 =	sadd.s32 @!p1 $0x100, s0  }
0xcf: {  	v9 =	vmov s24;
	v15 =	vbroadcast v8, $0x0;
	[tilespmem:s8], [sflag:$0x1] =	stream.indirect.gather @!p1 [hbm4b:s4+s1], $0x80, s0, s1, $0xb8;
	[tilespmem:$0x16400] =	vst v63  }
0xd0: {  	v8 =	vand.u32 $0x7D, v9;
	s1 =	simm.s32 $0x2;
	_ =	swait.ge [sflag:s21], $0x4000  }
0xd1: {  	v17 =	vbroadcast v8, $0x0;
	v9 =	vor.u32 v0, v15;
	s8 =	simm.s32 $0x0;
	v8 =	vmov s1;
	[sflag:s21] =	ssyncset.done $0x0  }
0xd2: {  	s0 =	simm.s32 @!p0 $0x4;
	v10 =	vmov s8;
	v8 =	vand.u32 $0x7E, v8;
	[sflag:s21] =	ssyncadd.s32 $0xFFFFC000  }
0xd3: {  	v11 =	vor.u32 v0, v17;
	v10 =	vand.u32 $0x7C, v10;
	v14 =	vbroadcast v8, $0x0;
	_ =	swait.ge @!p0 [sflag:s0], $0x2000  }
0xd4: {  	v13 =	vbroadcast v10, $0x0;
	[sflag:s0] =	ssyncset.done @!p0 $0x0  }
0xd5: {  	v8 =	vor.u32 v0, v14;
	[sflag:s0] =	ssyncadd.s32 @!p0 $0xFFFFE000  }
0xd6: {  	v10 =	vor.u32 v0, v13;
	v9 =	vld.idx.msk [tilespmem:v9+s11+$0x0], $0xffff  }
0xd7: {  	v12 =	vor.u32 v1, v15  }
0xd8: {  	s13 =	simm.s32 $0x180;
	s1 =	sand.u32 $0x3800, s8;
	v11 =	vld.idx.msk [tilespmem:v11+s11+$0x0], $0xffff  }
0xd9: {  	v16 =	vor.u32 v1, v17;
	s14 =	sadd.s32 $0xE400, s1;
	s0 =	sand.u32 $0x380, s13  }
0xda: {  	s16 =	simm.s32 $0x80;
	s15 =	sor.u32 s0, s14;
	v8 =	vld.idx.msk [tilespmem:v8+s11+$0x0], $0xffff  }
0xdb: {  	s17 =	sand.u32 $0x280, s16;
	v18 =	vor.u32 v1, v14;
	v10 =	vld.idx.msk [tilespmem:v10+s11+$0x0], $0xffff;
	[tilespmem:s15+$0x4000] =	vst v9  }
0xdc: {  	s18 =	simm.s32 $0x100;
	s0 =	sor.u32 s17, s14;
	v9 =	vor.u32 v1, v13;
	v12 =	vld.idx.msk [tilespmem:v12+s11+$0x0], $0xffff  }
0xdd: {  	s19 =	simm.s32 $0x0;
	s1 =	sand.u32 $0x300, s18;
	[tilespmem:s0+$0x4000] =	vst v11;
	v11 =	vor.u32 v2, v15  }
0xde: {  	s1 =	sor.u32 s1, s14;
	s13 =	sand.u32 $0x200, s19;
	v16 =	vld.idx.msk [tilespmem:v16+s11+$0x0], $0xffff  }
0xdf: {  	v19 =	vor.u32 v2, v17;
	s14 =	sor.u32 s13, s14;
	[tilespmem:s1+$0x4000] =	vst v8  }
0xe0: {  	[tilespmem:s14+$0x4000] =	vst v10;
	v10 =	vld.idx.msk [tilespmem:v18+s11+$0x0], $0xffff  }
0xe1: {  	s20 =	simm.s32 $0x4;
	v18 =	vor.u32 v2, v14;
	v9 =	vld.idx.msk [tilespmem:v9+s11+$0x0], $0xffff;
	[tilespmem:s15+$0x4010] =	vst v12  }
0xe2: {  	v8 =	vmov s20;
	v12 =	vor.u32 v2, v13;
	v11 =	vld.idx.msk [tilespmem:v11+s11+$0x0], $0xffff  }
0xe3: {  	v8 =	vand.u32 $0x7C, v8;
	[tilespmem:s0+$0x4010] =	vst v16;
	v16 =	vor.u32 v3, v15  }
0xe4: {  	v8 =	vbroadcast v8, $0x0;
	v19 =	vld.idx.msk [tilespmem:v19+s11+$0x0], $0xffff  }
0xe5: {  	s22 =	simm.s32 $0x5;
	[tilespmem:s1+$0x4010] =	vst v10;
	v10 =	vor.u32 v3, v17  }
0xe6: {  	v21 =	vmov s22;
	v20 =	vor.u32 v0, v8;
	[tilespmem:s14+$0x4010] =	vst v9;
	v18 =	vld.idx.msk [tilespmem:v18+s11+$0x0], $0xffff  }
0xe7: {  	s23 =	simm.s32 $0x7;
	v22 =	vor.u32 v3, v14;
	v9 =	vand.u32 $0x7D, v21;
	v21 =	vld.idx.msk [tilespmem:v12+s11+$0x0], $0xffff;
	[tilespmem:s15+$0x4020] =	vst v11  }
0xe8: {  	v9 =	vbroadcast v9, $0x0;
	v12 =	vmov s23;
	v11 =	vor.u32 v3, v13;
	v16 =	vld.idx.msk [tilespmem:v16+s11+$0x0], $0xffff  }
0xe9: {  	[tilespmem:s0+$0x4020] =	vst v19;
	v19 =	vor.u32 v4, v15;
	v12 =	vand.u32 $0x7F, v12  }
0xea: {  	v23 =	vor.u32 v0, v9;
	v12 =	vbroadcast v12, $0x0;
	v10 =	vld.idx.msk [tilespmem:v10+s11+$0x0], $0xffff  }
0xeb: {  	s24 =	simm.s32 $0x6;
	v20 =	vld.idx.msk [tilespmem:v20+s11+$0x0], $0xffff;
	[tilespmem:s1+$0x4020] =	vst v18;
	v18 =	vor.u32 v4, v17  }
0xec: {  	v24 =	vor.u32 v0, v12;
	[tilespmem:s14+$0x4020] =	vst v21;
	v21 =	vld.idx.msk [tilespmem:v22+s11+$0x0], $0xffff;
	v22 =	vmov s24  }
0xed: {  	s19 =	simm.s32 $0x8;
	v25 =	vld.idx.msk [tilespmem:v11+s11+$0x0], $0xffff;
	v11 =	vand.u32 $0x7E, v22;
	[tilespmem:s15+$0x4030] =	vst v16;
	v16 =	vor.u32 v4, v14  }
0xee: {  	v26 =	vor.u32 v4, v13;
	v22 =	vmov s19;
	v11 =	vbroadcast v11, $0x0;
	v19 =	vld.idx.msk [tilespmem:v19+s11+$0x0], $0xffff  }
0xef: {  	v23 =	vld.idx.msk [tilespmem:v23+s11+$0x0], $0xffff;
	[tilespmem:s0+$0x4030] =	vst v10;
	v10 =	vand.u32 $0x7C, v22;
	v22 =	vor.u32 v5, v15  }
0xf0: {  	v18 =	vld.idx.msk [tilespmem:v18+s11+$0x0], $0xffff;
	v10 =	vbroadcast v10, $0x0;
	v27 =	vor.u32 v0, v11  }
0xf1: {  	[tilespmem:s1+$0x4030] =	vst v21;
	v21 =	vld.idx.msk [tilespmem:v24+s11+$0x0], $0xffff;
	v24 =	vor.u32 v5, v17  }
0xf2: {  	[tilespmem:s14+$0x4030] =	vst v25;
	v25 =	vor.u32 v0, v10;
	v28 =	vld.idx.msk [tilespmem:v16+s11+$0x0], $0xffff  }
0xf3: {  	s17 =	simm.s32 $0x400;
	v29 =	vor.u32 v1, v12;
	v26 =	vld.idx.msk [tilespmem:v26+s11+$0x0], $0xffff;
	[tilespmem:s15+$0x4040] =	vst v19  }
0xf4: {  	s18 =	simm.s32 $0x380;
	s13 =	sand.u32 $0x3800, s17;
	v30 =	vor.u32 v1, v9;
	v22 =	vld.idx.msk [tilespmem:v22+s11+$0x0], $0xffff  }
0xf5: {  	s16 =	sand.u32 $0x380, s18;
	s8 =	sadd.s32 $0xE400, s13;
	s20 =	simm.s32 $0x280;
	v19 =	vor.u32 v5, v14;
	v27 =	vld.idx.msk [tilespmem:v27+s11+$0x0], $0xffff;
	[tilespmem:s0+$0x4040] =	vst v18  }
0xf6: {  	s16 =	sor.u32 s16, s8;
	s20 =	sand.u32 $0x280, s20;
	v18 =	vld.idx.msk [tilespmem:v24+s11+$0x0], $0xffff;
	v24 =	vor.u32 v6, v15  }
0xf7: {  	s13 =	sor.u32 s20, s8;
	[tilespmem:s16+$0x4000] =	vst v21;
	v21 =	vor.u32 v1, v8;
	v16 =	vld.idx.msk [tilespmem:v25+s11+$0x0], $0xffff  }
0xf8: {  	s22 =	simm.s32 $0x300;
	s23 =	simm.s32 $0x200;
	[tilespmem:s13+$0x4000] =	vst v23;
	v25 =	vor.u32 v1, v11;
	v29 =	vld.idx.msk [tilespmem:v29+s11+$0x0], $0xffff  }
0xf9: {  	s20 =	sand.u32 $0x300, s22;
	s22 =	sand.u32 $0x200, s23;
	v23 =	vor.u32 v5, v13;
	[tilespmem:s1+$0x4040] =	vst v28;
	v28 =	vld.idx.msk [tilespmem:v30+s11+$0x0], $0xffff  }
0xfa: {  	s31 =	sor.u32 s20, s8;
	s8 =	sor.u32 s22, s8;
	v30 =	vor.u32 v2, v12;
	v19 =	vld.idx.msk [tilespmem:v19+s11+$0x0], $0xffff;
	[tilespmem:s15+$0x4050] =	vst v22  }
0xfb: {  	[tilespmem:s8+$0x4000] =	vst v20;
	v20 =	vor.u32 v2, v9;
	v24 =	vld.idx.msk [tilespmem:v24+s11+$0x0], $0xffff  }
0xfc: {  	[tilespmem:s31+$0x4000] =	vst v27;
	v22 =	vor.u32 v6, v17;
	v21 =	vld.idx.msk [tilespmem:v21+s11+$0x0], $0xffff  }
0xfd: {  	v15 =	vor.u32 v7, v15;
	[tilespmem:s14+$0x4040] =	vst v26;
	v25 =	vld.idx.msk [tilespmem:v25+s11+$0x0], $0xffff  }
0xfe: {  	[tilespmem:s16+$0x4010] =	vst v29;
	v29 =	vld.idx.msk [tilespmem:v23+s11+$0x0], $0xffff  }
0xff: {  	v23 =	vor.u32 v2, v8;
	v30 =	vld.idx.msk [tilespmem:v30+s11+$0x0], $0xffff;
	[tilespmem:s13+$0x4010] =	vst v28  }
0x100: {  	s24 =	simm.s32 $0x9;
	v27 =	vor.u32 v2, v11;
	[tilespmem:s0+$0x4050] =	vst v18;
	v20 =	vld.idx.msk [tilespmem:v20+s11+$0x0], $0xffff  }
0x101: {  	v32 =	vor.u32 v6, v13;
	v18 =	vld.idx.msk [tilespmem:v22+s11+$0x0], $0xffff;
	[tilespmem:s15+$0x4060] =	vst v24;
	v24 =	vmov s24  }
0x102: {  	[tilespmem:s1+$0x4050] =	vst v19;
	v22 =	vor.u32 v6, v14;
	v26 =	vld.idx.msk [tilespmem:v15+s11+$0x0], $0xffff;
	v15 =	vand.u32 $0x7D, v24  }
0x103: {  	v31 =	vor.u32 v3, v12;
	[tilespmem:s8+$0x4010] =	vst v21;
	v15 =	vbroadcast v15, $0x0  }
0x104: {  	v28 =	vor.u32 v3, v9;
	[tilespmem:s31+$0x4010] =	vst v25;
	v23 =	vld.idx.msk [tilespmem:v23+s11+$0x0], $0xffff  }
0x105: {  	[tilespmem:s14+$0x4050] =	vst v29;
	v24 =	vld.idx.msk [tilespmem:v27+s11+$0x0], $0xffff;
	v21 =	vor.u32 v0, v15  }
0x106: {  	v25 =	vor.u32 v3, v11;
	[tilespmem:s13+$0x4020] =	vst v20;
	v20 =	vld.idx.msk [tilespmem:v32+s11+$0x0], $0xffff  }
0x107: {  	[tilespmem:s16+$0x4020] =	vst v30;
	v27 =	vor.u32 v3, v8;
	v19 =	vld.idx.msk [tilespmem:v22+s11+$0x0], $0xffff  }
0x108: {  	s7 =	sor.u32 $0x1, s7;
	s20 =	simm.s32 $0xC;
	s22 =	simm.s32 $0xB;
	v17 =	vor.u32 v7, v17;
	v22 =	vld.idx.msk [tilespmem:v31+s11+$0x0], $0xffff  }
.LBB2_5:
0x109: {  	p0 =	slt.u32 s20, $0x3C;
	v29 =	vmov s22;
	v28 =	vld.idx.msk [tilespmem:v28+s11+$0x0], $0xffff;
	v30 =	vor.u32 v4, v12;
	[tilespmem:s15+$0x4070] =	vst v26;
	s15 =	smov.u32 s16  }
0x10a: {  	v21 =	vld.idx.msk [tilespmem:v21+s11+$0x0], $0xffff;
	v26 =	vand.u32 $0x7F, v29;
	[tilespmem:s31+$0x4020] =	vst v24;
	v24 =	vor.u32 v7, v14;
	v14 =	vmov v11  }
0x10b: {  	v26 =	vbroadcast v26, $0x0;
	[tilespmem:s8+$0x4020] =	vst v23;
	v23 =	vor.u32 v4, v9;
	v25 =	vld.idx.msk [tilespmem:v25+s11+$0x0], $0xffff  }
0x10c: {  	s16 =	sadd.s32 $0x2, s19;
	s19 =	smov.u32 s20;
	v29 =	vor.u32 v7, v13;
	v13 =	vmov v8;
	v8 =	vmov v10;
	v27 =	vld.idx.msk [tilespmem:v27+s11+$0x0], $0xffff;
	[tilespmem:s0+$0x4060] =	vst v18  }
0x10d: {  	v10 =	vmov s16;
	v18 =	vor.u32 v0, v26;
	[tilespmem:s15+$0x4030] =	vst v22;
	v17 =	vld.idx.msk [tilespmem:v17+s11+$0x0], $0xffff  }
0x10e: {  	v10 =	vand.u32 $0x7E, v10;
	v22 =	vor.u32 v4, v14;
	v30 =	vld.idx.msk [tilespmem:v30+s11+$0x0], $0xffff;
	[tilespmem:s1+$0x4060] =	vst v19  }
0x10f: {  	v31 =	vor.u32 v4, v13;
	v11 =	vbroadcast v10, $0x0;
	v19 =	vmov s20;
	[tilespmem:s13+$0x4030] =	vst v28;
	v24 =	vld.idx.msk [tilespmem:v24+s11+$0x0], $0xffff  }
0x110: {  	v10 =	vand.u32 $0x7C, v19;
	v19 =	vld.idx.msk [tilespmem:v23+s11+$0x0], $0xffff;
	v23 =	vor.u32 v5, v12;
	[tilespmem:s14+$0x4060] =	vst v20  }
0x111: {  	v10 =	vbroadcast v10, $0x0;
	v20 =	vor.u32 v0, v11;
	[tilespmem:s31+$0x4030] =	vst v25;
	v25 =	vld.idx.msk [tilespmem:v29+s11+$0x0], $0xffff  }
0x112: {  	v18 =	vld.idx.msk [tilespmem:v18+s11+$0x0], $0xffff;
	[tilespmem:s8+$0x4030] =	vst v27;
	v27 =	vor.u32 v5, v9  }
0x113: {  	v28 =	vor.u32 v0, v10;
	v22 =	vld.idx.msk [tilespmem:v22+s11+$0x0], $0xffff;
	[tilespmem:s0+$0x4070] =	vst v17;
	s0 =	smov.u32 s13  }
0x114: {  	s17 =	sadd.s32 $0x400, s17;
	v17 =	vor.u32 v1, v26;
	v29 =	vld.idx.msk [tilespmem:v31+s11+$0x0], $0xffff;
	[tilespmem:s15+$0x4040] =	vst v30  }
0x115: {  	s18 =	sadd.s32 $0x200, s18;
	s13 =	sand.u32 $0x3800, s17;
	v30 =	vor.u32 v5, v14;
	v23 =	vld.idx.msk [tilespmem:v23+s11+$0x0], $0xffff;
	[tilespmem:s1+$0x4070] =	vst v24;
	s1 =	smov.u32 s31  }
0x116: {  	s22 =	sadd.s32 $0xFFFFFE80, s18;
	s23 =	sadd.s32 $0xE400, s13;
	s13 =	sand.u32 $0x380, s18;
	v24 =	vor.u32 v1, v15;
	v20 =	vld.idx.msk [tilespmem:v20+s11+$0x0], $0xffff;
	[tilespmem:s0+$0x4040] =	vst v19  }
0x117: {  	s24 =	sadd.s32 $0xFFFFFF00, s18;
	s31 =	sadd.s32 $0xFFFFFF80, s18;
	s16 =	sor.u32 s13, s23;
	v19 =	vld.idx.msk [tilespmem:v27+s11+$0x0], $0xffff;
	v27 =	vor.u32 v6, v12;
	[tilespmem:s14+$0x4070] =	vst v25  }
0x118: {  	s13 =	sand.u32 $0x200, s22;
	s22 =	sand.u32 $0x300, s31;
	s14 =	sand.u32 $0x280, s24;
	v25 =	vld.idx.msk [tilespmem:v28+s11+$0x0], $0xffff;
	v28 =	vor.u32 v1, v11;
	[tilespmem:s16+$0x4000] =	vst v18  }
0x119: {  	s24 =	sor.u32 s13, s23;
	s31 =	sor.u32 s22, s23;
	v18 =	vor.u32 v1, v8;
	s13 =	sor.u32 s14, s23;
	v17 =	vld.idx.msk [tilespmem:v17+s11+$0x0], $0xffff;
	[tilespmem:s1+$0x4040] =	vst v22  }
0x11a: {  	s14 =	smov.u32 s8;
	s8 =	smov.u32 s24;
	[tilespmem:s13+$0x4000] =	vst v21;
	v21 =	vor.u32 v5, v13;
	v22 =	vld.idx.msk [tilespmem:v30+s11+$0x0], $0xffff  }
0x11b: {  	v30 =	vor.u32 v2, v26;
	v24 =	vld.idx.msk [tilespmem:v24+s11+$0x0], $0xffff;
	[tilespmem:s15+$0x4050] =	vst v23  }
0x11c: {  	[tilespmem:s31+$0x4000] =	vst v20;
	v20 =	vor.u32 v6, v9;
	v23 =	vld.idx.msk [tilespmem:v27+s11+$0x0], $0xffff  }
0x11d: {  	v27 =	vor.u32 v2, v15;
	[tilespmem:s8+$0x4000] =	vst v16;
	v28 =	vld.idx.msk [tilespmem:v28+s11+$0x0], $0xffff  }
0x11e: {  	v16 =	vmov v25;
	v31 =	vld.idx.msk [tilespmem:v18+s11+$0x0], $0xffff;
	[tilespmem:s14+$0x4040] =	vst v29;
	v29 =	vor.u32 v7, v12;
	v12 =	vmov v26  }
0x11f: {  	v25 =	vor.u32 v2, v11;
	[tilespmem:s16+$0x4010] =	vst v17;
	v17 =	vld.idx.msk [tilespmem:v21+s11+$0x0], $0xffff  }
0x120: {  	v32 =	vor.u32 v2, v8;
	s22 =	sadd.s32 $0x1, s20;
	v30 =	vld.idx.msk [tilespmem:v30+s11+$0x0], $0xffff;
	[tilespmem:s0+$0x4050] =	vst v19  }
0x121: {  	v19 =	vmov s22;
	[tilespmem:s13+$0x4010] =	vst v24;
	v18 =	vld.idx.msk [tilespmem:v20+s11+$0x0], $0xffff;
	v20 =	vor.u32 v6, v14  }
0x122: {  	v34 =	vor.u32 v3, v12;
	v19 =	vand.u32 $0x7D, v19;
	v33 =	vld.idx.msk [tilespmem:v27+s11+$0x0], $0xffff;
	[tilespmem:s15+$0x4060] =	vst v23  }
0x123: {  	v36 =	vor.u32 v6, v13;
	v35 =	vbroadcast v19, $0x0;
	[tilespmem:s31+$0x4010] =	vst v28;
	v26 =	vld.idx.msk [tilespmem:v29+s11+$0x0], $0xffff  }
.Ltmp3:
0x124: {  	v28 =	vor.u32 v3, v15;
	[tilespmem:s8+$0x4010] =	vst v31;
	v24 =	vld.idx.msk [tilespmem:v25+s11+$0x0], $0xffff;
	(pc) =	sbr.rel @p0 .LBB2_5-.Ltmp3, $4  }
0x125: {  	v21 =	vor.u32 v0, v35;
	v23 =	vld.idx.msk [tilespmem:v32+s11+$0x0], $0xffff;
	[tilespmem:s1+$0x4050] =	vst v22  }
0x126: {  	v25 =	vor.u32 v3, v11;
	[tilespmem:s16+$0x4020] =	vst v30;
	v19 =	vld.idx.msk [tilespmem:v20+s11+$0x0], $0xffff  }
0x127: {  	v27 =	vor.u32 v3, v8;
	v22 =	vld.idx.msk [tilespmem:v34+s11+$0x0], $0xffff;
	[tilespmem:s14+$0x4050] =	vst v17  }
0x128: {  	s20 =	sadd.s32 $0x4, s20;
	s22 =	sadd.s32 $0x3, s19;
	v17 =	vor.u32 v7, v9;
	v9 =	vmov v15;
	v15 =	vmov v35;
	[tilespmem:s13+$0x4020] =	vst v33;
	v20 =	vld.idx.msk [tilespmem:v36+s11+$0x0], $0xffff  }
0x129: {  	_ =	sdelay $0x1  }
0x12a: {  	[tilespmem:s15+$0x4070] =	vst v26  }
0x12b: {  	v29 =	vor.u32 v4, v12;
	[tilespmem:s31+$0x4020] =	vst v24  }
0x12c: {  	v33 =	vmov s22;
	v28 =	vld.idx.msk [tilespmem:v28+s11+$0x0], $0xffff;
	v35 =	vor.u32 v7, v14;
	[tilespmem:s0+$0x4060] =	vst v18  }
0x12d: {  	s22 =	sadd.s32 $0x2, s19;
	v40 =	vor.u32 v7, v13;
	v34 =	vand.u32 $0x7F, v33;
	[tilespmem:s8+$0x4020] =	vst v23;
	v37 =	vld.idx.msk [tilespmem:v25+s11+$0x0], $0xffff  }
0x12e: {  	v36 =	vor.u32 v4, v9;
	v38 =	vmov s22;
	v17 =	vld.idx.msk [tilespmem:v17+s11+$0x0], $0xffff;
	v14 =	vbroadcast v34, $0x0;
	[tilespmem:s1+$0x4060] =	vst v19  }
0x12f: {  	v39 =	vld.idx.msk [tilespmem:v27+s11+$0x0], $0xffff;
	v41 =	vand.u32 $0x7E, v38;
	[tilespmem:s16+$0x4030] =	vst v22  }
0x130: {  	v13 =	vbroadcast v41, $0x0;
	v42 =	vor.u32 v0, v14;
	[tilespmem:s14+$0x4060] =	vst v20;
	v43 =	vld.idx.msk [tilespmem:v29+s11+$0x0], $0xffff  }
0x131: {  	[tilespmem:s13+$0x4030] =	vst v28;
	v44 =	vld.idx.msk [tilespmem:v35+s11+$0x0], $0xffff  }
0x132: {  	v45 =	vor.u32 v0, v13;
	v47 =	vld.idx.msk [tilespmem:v40+s11+$0x0], $0xffff;
	[tilespmem:s31+$0x4030] =	vst v37  }
0x133: {  	v46 =	vor.u32 v4, v11;
	v23 =	vld.idx.msk [tilespmem:v36+s11+$0x0], $0xffff;
	[tilespmem:s0+$0x4070] =	vst v17  }
0x134: {  	v49 =	vld.idx.msk [tilespmem:v21+s11+$0x0], $0xffff;
	v55 =	vor.u32 v4, v8;
	[tilespmem:s8+$0x4030] =	vst v39  }
0x135: {  	s23 =	sadd.s32 $0x400, s17;
	s24 =	sadd.s32 $0x200, s18;
	v51 =	vor.u32 v1, v15;
	v18 =	vld.idx.msk [tilespmem:v42+s11+$0x0], $0xffff;
	[tilespmem:s16+$0x4040] =	vst v43  }
0x136: {  	s19 =	sadd.s32 $0xFFFFFF00, s24;
	v50 =	vor.u32 v1, v14;
	s0 =	sand.u32 $0x3800, s23;
	[tilespmem:s1+$0x4070] =	vst v44  }
0x137: {  	v54 =	vor.u32 v1, v10;
	s17 =	sand.u32 $0x380, s24;
	s20 =	sand.u32 $0x280, s19;
	v20 =	vld.idx.msk [tilespmem:v45+s11+$0x0], $0xffff;
	s1 =	sadd.s32 $0xE400, s0;
	[tilespmem:s14+$0x4070] =	vst v47  }
0x138: {  	s18 =	sadd.s32 $0xFFFFFF80, s24;
	s15 =	sadd.s32 $0xFFFFFE80, s24;
	v52 =	vor.u32 v1, v13;
	v53 =	vld.idx.msk [tilespmem:v46+s11+$0x0], $0xffff;
	[tilespmem:s13+$0x4040] =	vst v23;
	s14 =	sor.u32 s20, s1  }
0x139: {  	v48 =	vor.u32 v5, v12;
	s22 =	sand.u32 $0x300, s18;
	s23 =	sand.u32 $0x200, s15;
	v61 =	vld.idx.msk [tilespmem:v55+s11+$0x0], $0xffff;
	s0 =	sor.u32 s17, s1;
	[tilespmem:s14+$0x4000] =	vst v49  }
0x13a: {  	v56 =	vor.u32 v5, v9;
	s24 =	sor.u32 s22, s1;
	s1 =	sor.u32 s23, s1;
	v17 =	vld.idx.msk [tilespmem:v51+s11+$0x0], $0xffff;
	[tilespmem:s0+$0x4000] =	vst v18  }
0x13b: {  	v58 =	vor.u32 v2, v15;
	[tilespmem:s1+$0x4000] =	vst v16;
	v21 =	vld.idx.msk [tilespmem:v50+s11+$0x0], $0xffff  }
0x13c: {  	v57 =	vor.u32 v2, v14;
	v59 =	vld.idx.msk [tilespmem:v54+s11+$0x0], $0xffff;
	[tilespmem:s24+$0x4000] =	vst v20  }
0x13d: {  	v62 =	vor.u32 v2, v10;
	[tilespmem:s31+$0x4040] =	vst v53;
	v20 =	vld.idx.msk [tilespmem:v52+s11+$0x0], $0xffff  }
0x13e: {  	v60 =	vor.u32 v2, v13;
	v25 =	vld.idx.msk [tilespmem:v48+s11+$0x0], $0xffff;
	[tilespmem:s8+$0x4040] =	vst v61  }
0x13f: {  	v63 =	vor.u32 v6, v12;
	v18 =	vld.idx.msk [tilespmem:v56+s11+$0x0], $0xffff;
	[tilespmem:s14+$0x4010] =	vst v17  }
0x140: {  	v28 =	vor.u32 v5, v11;
	v16 =	vld.idx.msk [tilespmem:v58+s11+$0x0], $0xffff;
	[tilespmem:s0+$0x4010] =	vst v21  }
0x141: {  	v30 =	vor.u32 v3, v15;
	[tilespmem:s1+$0x4010] =	vst v59;
	v19 =	vld.idx.msk [tilespmem:v57+s11+$0x0], $0xffff  }
0x142: {  	v29 =	vor.u32 v3, v14;
	v32 =	vld.idx.msk [tilespmem:v62+s11+$0x0], $0xffff;
	[tilespmem:s24+$0x4010] =	vst v20  }
0x143: {  	v35 =	vor.u32 v3, v10;
	[tilespmem:s16+$0x4050] =	vst v25;
	v31 =	vld.idx.msk [tilespmem:v60+s11+$0x0], $0xffff  }
0x144: {  	v33 =	vor.u32 v3, v13;
	v34 =	vld.idx.msk [tilespmem:v63+s11+$0x0], $0xffff;
	[tilespmem:s13+$0x4050] =	vst v18  }
0x145: {  	v36 =	vor.u32 v5, v8;
	v21 =	vld.idx.msk [tilespmem:v28+s11+$0x0], $0xffff;
	[tilespmem:s14+$0x4020] =	vst v16  }
0x146: {  	v37 =	vor.u32 v7, v12;
	v16 =	vld.idx.msk [tilespmem:v30+s11+$0x0], $0xffff;
	[tilespmem:s0+$0x4020] =	vst v19  }
0x147: {  	v39 =	vor.u32 v4, v15;
	[tilespmem:s1+$0x4020] =	vst v32;
	v17 =	vld.idx.msk [tilespmem:v29+s11+$0x0], $0xffff  }
0x148: {  	v38 =	vor.u32 v4, v14;
	v18 =	vld.idx.msk [tilespmem:v35+s11+$0x0], $0xffff;
	[tilespmem:s24+$0x4020] =	vst v31  }
0x149: {  	v42 =	vor.u32 v4, v10;
	[tilespmem:s16+$0x4060] =	vst v34;
	v22 =	vld.idx.msk [tilespmem:v33+s11+$0x0], $0xffff  }
0x14a: {  	v40 =	vor.u32 v4, v13;
	v41 =	vld.idx.msk [tilespmem:v36+s11+$0x0], $0xffff;
	[tilespmem:s31+$0x4050] =	vst v21  }
0x14b: {  	v43 =	vor.u32 v6, v9;
	v12 =	vld.idx.msk [tilespmem:v37+s11+$0x0], $0xffff;
	[tilespmem:s14+$0x4030] =	vst v16  }
0x14c: {  	v50 =	vor.u32 v6, v8;
	v16 =	vld.idx.msk [tilespmem:v39+s11+$0x0], $0xffff;
	[tilespmem:s0+$0x4030] =	vst v17  }
0x14d: {  	v46 =	vor.u32 v5, v15;
	[tilespmem:s1+$0x4030] =	vst v18;
	v19 =	vld.idx.msk [tilespmem:v38+s11+$0x0], $0xffff  }
0x14e: {  	v45 =	vor.u32 v5, v14;
	v21 =	vld.idx.msk [tilespmem:v42+s11+$0x0], $0xffff;
	[tilespmem:s24+$0x4030] =	vst v22  }
0x14f: {  	v49 =	vor.u32 v5, v10;
	[tilespmem:s8+$0x4050] =	vst v41;
	v22 =	vld.idx.msk [tilespmem:v40+s11+$0x0], $0xffff  }
0x150: {  	v47 =	vor.u32 v5, v13;
	v48 =	vld.idx.msk [tilespmem:v43+s11+$0x0], $0xffff;
	[tilespmem:s16+$0x4070] =	vst v12  }
0x151: {  	v51 =	vor.u32 v7, v9;
	v56 =	vld.idx.msk [tilespmem:v50+s11+$0x0], $0xffff;
	[tilespmem:s14+$0x4040] =	vst v16  }
0x152: {  	v44 =	vor.u32 v6, v11;
	v16 =	vld.idx.msk [tilespmem:v46+s11+$0x0], $0xffff;
	[tilespmem:s0+$0x4040] =	vst v19  }
0x153: {  	v54 =	vor.u32 v6, v15;
	[tilespmem:s1+$0x4040] =	vst v21;
	v19 =	vld.idx.msk [tilespmem:v45+s11+$0x0], $0xffff  }
0x154: {  	v52 =	vor.u32 v6, v14;
	v12 =	vld.idx.msk [tilespmem:v49+s11+$0x0], $0xffff;
	[tilespmem:s24+$0x4040] =	vst v22  }
0x155: {  	v57 =	vor.u32 v6, v10;
	[tilespmem:s13+$0x4060] =	vst v48;
	v53 =	vld.idx.msk [tilespmem:v47+s11+$0x0], $0xffff  }
0x156: {  	v55 =	vor.u32 v6, v13;
	[tilespmem:s8+$0x4060] =	vst v56;
	v9 =	vld.idx.msk [tilespmem:v51+s11+$0x0], $0xffff  }
0x157: {  	v8 =	vor.u32 v7, v8;
	v17 =	vld.idx.msk [tilespmem:v44+s11+$0x0], $0xffff;
	[tilespmem:s14+$0x4050] =	vst v16  }
0x158: {  	v58 =	vor.u32 v7, v11;
	v16 =	vld.idx.msk [tilespmem:v54+s11+$0x0], $0xffff;
	[tilespmem:s0+$0x4050] =	vst v19  }
0x159: {  	v60 =	vor.u32 v7, v15;
	[tilespmem:s1+$0x4050] =	vst v12;
	v18 =	vld.idx.msk [tilespmem:v52+s11+$0x0], $0xffff  }
0x15a: {  	v14 =	vor.u32 v7, v14;
	v61 =	vld.idx.msk [tilespmem:v57+s11+$0x0], $0xffff;
	[tilespmem:s24+$0x4050] =	vst v53  }
0x15b: {  	v62 =	vor.u32 v7, v10;
	[tilespmem:s13+$0x4070] =	vst v9;
	v59 =	vld.idx.msk [tilespmem:v55+s11+$0x0], $0xffff  }
0x15c: {  	v13 =	vor.u32 v7, v13;
	v8 =	vld.idx.msk [tilespmem:v8+s11+$0x0], $0xffff;
	[tilespmem:s31+$0x4060] =	vst v17  }
0x15d: {  	v11 =	vld.idx.msk [tilespmem:v58+s11+$0x0], $0xffff;
	[tilespmem:s14+$0x4060] =	vst v16  }
0x15e: {  	v12 =	vld.idx.msk [tilespmem:v60+s11+$0x0], $0xffff;
	[tilespmem:s0+$0x4060] =	vst v18  }
0x15f: {  	[tilespmem:s1+$0x4060] =	vst v61;
	v63 =	vld.idx.msk [tilespmem:v14+s11+$0x0], $0xffff  }
0x160: {  	v9 =	vld.idx.msk [tilespmem:v62+s11+$0x0], $0xffff;
	[tilespmem:s24+$0x4060] =	vst v59  }
0x161: {  	[tilespmem:s8+$0x4070] =	vst v8;
	v13 =	vld.idx.msk [tilespmem:v13+s11+$0x0], $0xffff  }
0x162: {  	s7 =	sadd.s32 s5, s7;
	[tilespmem:s31+$0x4070] =	vst v11  }
0x163: {  	s13 =	sshll.u32 s7, $0x7;
	[tilespmem:s14+$0x4070] =	vst v12  }
0x164: {  	s7 =	sshll.u32 s7, $0xA;
	[tilespmem:s0+$0x4070] =	vst v63;
	s0 =	sand.u32 $0xF80, s13  }
0x165: {  	s7 =	sand.u32 $0xFFF8000, s7;
	[tilespmem:s1+$0x4070] =	vst v9;
	s0 =	sadd.s32 s2, s0  }
0x166: {  	s16 =	simm.s32 $0x12400;
	[tilespmem:s24+$0x4070] =	vst v13;
	s0 =	sadd.s32 s7, s0  }
0x167: {  	[hbm4b:s0+s3] =	stream.linear.scatter [tilespmem:s16], [sflag:$0x4], $0x400, $0x38;
	[tilespmem:$0x16400] =	vst v63  }
0x168: {  	s18 =	simm.s32 $0x12C00;
	s17 =	sadd.s32 $0x1000, s0  }
0x169: {  	[hbm4b:s17+s3] =	stream.linear.scatter [tilespmem:s18], [sflag:$0x4], $0x400, $0x38;
	[tilespmem:$0x16400] =	vst v63  }
0x16a: {  	s20 =	simm.s32 $0x13400;
	s19 =	sadd.s32 $0x2000, s0  }
0x16b: {  	[hbm4b:s19+s3] =	stream.linear.scatter [tilespmem:s20], [sflag:$0x4], $0x400, $0x38;
	[tilespmem:$0x16400] =	vst v63  }
0x16c: {  	s22 =	sadd.s32 $0x3000, s0  }
0x16d: {  	[hbm4b:s22+s3] =	stream.linear.scatter [tilespmem:s25], [sflag:$0x4], $0x400, $0x38;
	[tilespmem:$0x16400] =	vst v63  }
0x16e: {  	s23 =	sadd.s32 $0x4000, s0  }
0x16f: {  	[hbm4b:s23+s3] =	stream.linear.scatter [tilespmem:s26], [sflag:$0x4], $0x400, $0x38;
	[tilespmem:$0x16400] =	vst v63  }
0x170: {  	s24 =	sadd.s32 $0x5000, s0  }
0x171: {  	[hbm4b:s24+s3] =	stream.linear.scatter [tilespmem:s28], [sflag:$0x4], $0x400, $0x38;
	[tilespmem:$0x16400] =	vst v63  }
.Ltmp4:
0x172: {  	_ = 	snop;
	(pc) =	sbr.rel @p1 .LBB2_8-.Ltmp4, $4  }
0x173: {  	s31 =	sadd.s32 $0x6000, s0  }
0x174: {  	[hbm4b:s31+s3] =	stream.linear.scatter [tilespmem:s29], [sflag:$0x4], $0x400, $0x38;
	[tilespmem:$0x16400] =	vst v63  }
0x175: {  	s0 =	sadd.s32 $0x7000, s0  }
0x176: {  	[hbm4b:s0+s3] =	stream.linear.scatter [tilespmem:s30], [sflag:$0x4], $0x400, $0x38;
	[tilespmem:$0x16400] =	vst v63  }
.Ltmp5:
0x177: {  	(pc) =	sbr.rel .LBB2_2-.Ltmp5, $4  }
0x178: {  	s0 =	sshll.u32 s6, $0x8  }
0x179: {  	s0 =	sand.u32 $0x3FFFFF00, s0  }
0x17a: {  	s6 =	sadd.s32 $0x1, s6;
	s0 =	sadd.s32 $0x180, s0  }
0x17b: {  	[tilespmem:s11], [sflag:$0x2] =	stream.indirect.gather [hbm4b:s4+s9], $0x80, s0, s9, $0xb8;
	[tilespmem:$0x16400] =	vst v63  }
.LBB2_9:
0x17c: {  	_ =	sfence.sel $0x180000  }
0x17d: {  	[bflag:$0x0] =	sbarrier.arrive $0xFFFF  }
0x17e: {  	_ =	strace $0x90000047  }
0x17f: {  	s0 =	stileid.u32;
	[bflag:$0x2] =	sbarrier.arrive $0xFFFF  }
0x180: {  	p0 =	sne.s32 s0, $0x0;
	s0 =	rddreg [dreg:$0x2]  }
0x181: {  	s0 =	sadd.s32 @!p0 $0x100000, s0  }
0x182: {  	[sflag:s0] =	ssyncadd.tile.s32 @!p0 $0x1;
	_ =	shalt  }
.Lfunc_end2:
_tile_overlayer_lowered:
.L_overlay_start_2:
0x183: {  	(tag) =	ssettag $0x2  }
0x184: {  	s0 =	rddreg [dreg:$0x0];
	s2 =	stileid.u32  }
0x185: {  	s1 =	rddreg [dreg:$0x1];
	p0 =	sne.s32 s2, $0x0  }
0x186: {  	s3 =	rddreg [dreg:$0x2];
	[bflag:$0x3] =	sbarrier.arrive $0xFFFF;
	s2 =	simm.s32 @!p0 $0x1C05  }
0x187: {  	[timem:s3], [sflag:s2] =	dma.local @!p0 [hbm:s0], s1  }
0x188: {  	s0 =	simm.s32 @!p0 $0x5  }
0x189: {  	_ =	swait.ge @!p0 [sflag:s0], s1  }
0x18a: {  	s1 =	ssub.s32 @!p0 $0x0, s1;
	[sflag:s0] =	ssyncset.done @!p0 $0x0  }
0x18b: {  	[sflag:s0] =	ssyncadd.s32 @!p0 s1  }
0x18c: {  	[bflag:$0x3] =	sbarrier.arrive $0xFFFF  }
0x18d: {  	_ =	shalt  }

</sc_bundles>
